<compile_context>
chip_gen: v7x
topology: tpu7x:2x2x1
jax: 0.10.2.dev20260603
libtpu: 0.0.44.dev20260713+nightly
codegen_flags: <defaults>
</compile_context>

<pallas_src>
import functools

import jax
import jax.numpy as jnp
import numpy as np
from jax import lax
from jax.experimental import pallas as pl
from jax.experimental.pallas import tpu as pltpu
from jax.experimental.pallas import tpu_sc as plsc

F32 = jnp.float32
I32 = jnp.int32
EPS = float(np.finfo(float).eps)

NC, NS = 2, 16
NW = NC * NS
CH = 128
RB = 128


def _rup(a, b):
    return (a + b - 1) // b * b


def _k1_body(n, x_ref, w1_ref, as1_ref, ad1_ref, lp_ref, ew_ref,
             h1e_ref, es_ref, ed_ref, emb_ref, s_ref):
    xb = x_ref[...]
    h1 = jnp.dot(xb, w1_ref[...], preferred_element_type=F32)
    es_ref[...] = jnp.dot(h1, as1_ref[...], preferred_element_type=F32)
    ed_ref[...] = jnp.dot(h1, ad1_ref[...], preferred_element_type=F32)
    h1e_ref[...] = h1
    p = jax.nn.sigmoid(lp_ref[...])
    kk = jnp.log(p + EPS) - jnp.log(1.0 - p + EPS)
    keep = 1.0 - jax.nn.sigmoid(kk / 0.1)
    ew = jax.nn.sigmoid(ew_ref[...])
    embb = xb * (keep * ew)
    emb_ref[...] = embb
    s_ref[...] = jnp.sum(embb, axis=1, keepdims=True)


def _run_k1(n, n_pad, in_c, hid_c, r1, x_p, W1, a_s1, a_d1, logit_p, embedding_w):
    grid = n_pad // RB
    return pl.pallas_call(
        functools.partial(_k1_body, n),
        grid=(grid,),
        in_specs=[
            pl.BlockSpec((RB, in_c), lambda i: (i, 0)),
            pl.BlockSpec((in_c, hid_c), lambda i: (0, 0)),
            pl.BlockSpec((hid_c, 1), lambda i: (0, 0)),
            pl.BlockSpec((hid_c, 1), lambda i: (0, 0)),
            pl.BlockSpec((1, in_c), lambda i: (0, 0)),
            pl.BlockSpec((1, in_c), lambda i: (0, 0)),
        ],
        out_specs=[
            pl.BlockSpec((RB, r1), lambda i: (i, 0)),
            pl.BlockSpec((RB, 1), lambda i: (i, 0)),
            pl.BlockSpec((RB, 1), lambda i: (i, 0)),
            pl.BlockSpec((RB, in_c), lambda i: (i, 0)),
            pl.BlockSpec((RB, 1), lambda i: (i, 0)),
        ],
        out_shape=[
            jax.ShapeDtypeStruct((n_pad, r1), F32),
            jax.ShapeDtypeStruct((n_pad, 1), F32),
            jax.ShapeDtypeStruct((n_pad, 1), F32),
            jax.ShapeDtypeStruct((n_pad, in_c), F32),
            jax.ShapeDtypeStruct((n_pad, 1), F32),
        ],
    )(x_p, W1, a_s1.reshape(hid_c, 1), a_d1.reshape(hid_c, 1),
      logit_p.reshape(1, in_c), embedding_w.reshape(1, in_c))


def _make_edge_kernel(n_pad, e_pad, r, with_den):
    epw = e_pad // NW
    n_chunks = epw // CH
    rps = n_pad // NS
    mesh = plsc.VectorSubcoreMesh(
        core_axis_name="c", subcore_axis_name="s",
        num_cores=NC, num_subcores=NS)

    out_type = [jax.ShapeDtypeStruct((NC, n_pad, r), F32)]
    scratch = [
        pltpu.VMEM((n_pad,), F32),
        pltpu.VMEM((n_pad,), F32),
        pltpu.VMEM((CH,), I32),
        pltpu.VMEM((CH,), I32),
        pltpu.VMEM((CH,), F32),
        pltpu.VMEM((CH, r), F32),
        pltpu.VMEM_SHARED((n_pad, r), F32),
        pltpu.SemaphoreType.DMA,
    ]
    if with_den:
        out_type.append(jax.ShapeDtypeStruct((NC, NS, n_pad), F32))
        scratch += [
            pltpu.VMEM((n_pad,), F32),
            pltpu.VMEM((32,), I32),
            pltpu.VMEM((32,), I32),
            pltpu.VMEM((16,), F32),
        ]

    def edge_body(h_hbm, es_hbm, ed_hbm, src_hbm, dst_hbm, out_hbm,
                  *rest):
        if with_den:
            (den_hbm, es_v, ed_v, src_v, dst_v, w_v, rows_v, acc, sem,
             den_v, bufp, bufn, csb) = rest
        else:
            es_v, ed_v, src_v, dst_v, w_v, rows_v, acc, sem = rest
        c = lax.axis_index("c")
        s = lax.axis_index("s")
        wid = s * NC + c
        pltpu.sync_copy(es_hbm, es_v)
        pltpu.sync_copy(ed_hbm, ed_v)
        zero16 = jnp.zeros((16,), F32)
        lanes = lax.iota(I32, 16)

        @pl.loop(0, CH)
        def _zero_rows(e):
            for j in range(r // 16):
                rows_v[e, pl.ds(j * 16, 16)] = zero16

        @pl.loop(0, rps // CH)
        def _zero_acc(b):
            pltpu.sync_copy(rows_v, acc.at[pl.ds(s * rps + b * CH, CH)])

        if with_den:
            izero16 = jnp.zeros((16,), I32)
            bufp[pl.ds(0, 16)] = izero16
            bufp[pl.ds(16, 16)] = izero16
            bufn[pl.ds(0, 16)] = izero16
            bufn[pl.ds(16, 16)] = izero16

            @pl.loop(0, n_pad // 16)
            def _zero_den(b):
                den_v[pl.ds(b * 16, 16)] = zero16

        plsc.subcore_barrier()

        @pl.loop(0, n_chunks)
        def _chunk(k):
            base = wid * epw + k * CH
            pltpu.sync_copy(src_hbm.at[pl.ds(base, CH)], src_v)
            pltpu.sync_copy(dst_hbm.at[pl.ds(base, CH)], dst_v)
            pltpu.async_copy(h_hbm.at[src_v], rows_v, sem).wait()

            @pl.loop(0, CH // 16)
            def _weights(g):
                sl = pl.ds(g * 16, 16)
                d16 = dst_v[sl]
                e1 = (plsc.load_gather(es_v, [src_v[sl]])
                      + plsc.load_gather(ed_v, [d16]))
                e2 = jnp.maximum(e1, 0.2 * e1)
                w16 = jnp.exp(e2)
                w_v[sl] = w16
                if with_den:
                    skey, sw = plsc.sort_key_val(d16, w16)
                    cs = plsc.cumsum(sw)
                    bufp[pl.ds(1, 16)] = skey
                    bufn[pl.ds(0, 16)] = skey
                    prev = bufp[pl.ds(0, 16)]
                    nxt = bufn[pl.ds(1, 16)]
                    first = (lanes == 0) | (skey != prev)
                    last = (lanes == 15) | (skey != nxt)
                    segstart = plsc.cummax(jnp.where(first, lanes, 0))
                    csb[pl.ds(0, 16)] = cs
                    basev = plsc.load_gather(
                        csb, [jnp.maximum(segstart - 1, 0)])
                    segtot = cs - jnp.where(segstart == 0, 0.0, basev)
                    plsc.addupdate_scatter(den_v, [skey], segtot, mask=last)

            @pl.loop(0, CH)
            def _scale(e):
                wsp = plsc.load_gather(w_v, [jnp.full((16,), e, I32)])
                for j in range(r // 16):
                    sl = pl.ds(j * 16, 16)
                    rows_v[e, sl] = rows_v[e, sl] * wsp

            pltpu.sync_copy(rows_v, acc.at[dst_v], add=True)

        plsc.subcore_barrier()

        @pl.loop(0, rps // CH)
        def _copy_out(b):
            off = s * rps + b * CH
            pltpu.sync_copy(acc.at[pl.ds(off, CH)],
                            out_hbm.at[c, pl.ds(off, CH)])

        if with_den:
            pltpu.sync_copy(den_v, den_hbm.at[c, s])

    return pl.kernel(
        edge_body,
        out_type=out_type if with_den else out_type[0],
        mesh=mesh,
        compiler_params=pltpu.CompilerParams(needs_layout_passes=False),
        scratch_types=scratch,
    )


def _k3_body(n, hid_c, out_c, r2, num_ref, den1_ref, b1_ref, g_ref, be_ref,
             mu_ref, var_ref, w2_ref, as2_ref, ad2_ref,
             h2e_ref, es2_ref, ed2_ref):
    i = pl.program_id(0)
    numer = num_ref[0] + num_ref[1]
    den = jnp.sum(den1_ref[...], axis=(0, 1))
    hid = numer / (den + 1e-16) + b1_ref[...]
    hid = (hid - mu_ref[...]) / jnp.sqrt(var_ref[...] + 1e-5) * g_ref[...] \
        + be_ref[...]
    hid = jnp.maximum(hid, 0.01 * hid)
    h2 = jnp.dot(hid, w2_ref[...], preferred_element_type=F32)
    es2_ref[...] = jnp.dot(h2, as2_ref[...], preferred_element_type=F32)
    ed2_ref[...] = jnp.dot(h2, ad2_ref[...], preferred_element_type=F32)
    row = i * RB + lax.broadcasted_iota(I32, (RB, 1), 0)
    ones_col = (row < n).astype(F32)
    pad = r2 - out_c - 1
    h2e_ref[...] = jnp.concatenate(
        [h2, ones_col, jnp.zeros((RB, pad), F32)], axis=1)


def _run_k3(n, n_pad, hid_c, out_c, r1, r2, num1, den1, b1, bn_gamma,
            bn_beta, bn_mean, bn_var, W2, a_s2, a_d2):
    grid = n_pad // RB
    row1 = lambda i: (i, 0)
    vec = lambda i: (0, 0)
    return pl.pallas_call(
        functools.partial(_k3_body, n, hid_c, out_c, r2),
        grid=(grid,),
        in_specs=[
            pl.BlockSpec((NC, RB, r1), lambda i: (0, i, 0)),
            pl.BlockSpec((NC, NS, RB, 1), lambda i: (0, 0, i, 0)),
            pl.BlockSpec((1, hid_c), vec),
            pl.BlockSpec((1, hid_c), vec),
            pl.BlockSpec((1, hid_c), vec),
            pl.BlockSpec((1, hid_c), vec),
            pl.BlockSpec((1, hid_c), vec),
            pl.BlockSpec((hid_c, out_c), vec),
            pl.BlockSpec((out_c, 1), vec),
            pl.BlockSpec((out_c, 1), vec),
        ],
        out_specs=[
            pl.BlockSpec((RB, r2), row1),
            pl.BlockSpec((RB, 1), row1),
            pl.BlockSpec((RB, 1), row1),
        ],
        out_shape=[
            jax.ShapeDtypeStruct((n_pad, r2), F32),
            jax.ShapeDtypeStruct((n_pad, 1), F32),
            jax.ShapeDtypeStruct((n_pad, 1), F32),
        ],
    )(num1, den1, b1.reshape(1, hid_c), bn_gamma.reshape(1, hid_c),
      bn_beta.reshape(1, hid_c), bn_mean.reshape(1, hid_c),
      bn_var.reshape(1, hid_c), W2, a_s2.reshape(out_c, 1),
      a_d2.reshape(out_c, 1))


def _k5a_body(n, out_c, num_ref, b2_ref, y_ref, tm_ref, emb_ref, s_ref,
              t_ref, loss_ref):
    i = pl.program_id(0)
    nb = num_ref[0] + num_ref[1]
    numer = nb[:, :out_c]
    den = nb[:, out_c:out_c + 1]
    o = numer / (den + 1e-16) + b2_ref[...]
    m = jnp.max(o, axis=1, keepdims=True)
    ex = jnp.exp(o - m)
    out_log = o - m - jnp.log(jnp.sum(ex, axis=1, keepdims=True))
    row = i * RB + lax.broadcasted_iota(I32, (RB, 1), 0)
    valid = (row < n).astype(F32)
    node_p = jnp.exp(out_log[:, 1:2])
    rs = valid / (s_ref[...] + 1e-6)
    pvec = node_p * rs
    nvec = (1.0 - node_p) * rs
    emb = emb_ref[...]
    tn = lax.dot_general(emb, nvec, (((0,), (0,)), ((), ())),
                         preferred_element_type=F32)
    tp = lax.dot_general(emb, pvec, (((0,), (0,)), ((), ())),
                         preferred_element_type=F32)
    tblk = jnp.concatenate([tn, tp], axis=1)
    cols = lax.broadcasted_iota(I32, (RB, out_c), 1)
    onehot = (cols == y_ref[...]).astype(F32)
    vals = jnp.sum(out_log * onehot, axis=1, keepdims=True)
    tm = tm_ref[...] * valid
    lblk = jnp.concatenate([
        jnp.sum(vals * tm).reshape(1, 1),
        jnp.sum(tm).reshape(1, 1)], axis=1)

    @pl.when(i == 0)
    def _():
        t_ref[...] = tblk
        loss_ref[...] = lblk

    @pl.when(i > 0)
    def _():
        t_ref[...] += tblk
        loss_ref[...] += lblk


def _run_k5a(n, n_pad, in_c, out_c, r2, num2, b2, y_p, tm_p, emb, s):
    grid = _rup(n, RB) // RB
    row1 = lambda i: (i, 0)
    return pl.pallas_call(
        functools.partial(_k5a_body, n, out_c),
        grid=(grid,),
        in_specs=[
            pl.BlockSpec((NC, RB, r2), lambda i: (0, i, 0)),
            pl.BlockSpec((1, out_c), lambda i: (0, 0)),
            pl.BlockSpec((RB, 1), row1),
            pl.BlockSpec((RB, 1), row1),
            pl.BlockSpec((RB, in_c), row1),
            pl.BlockSpec((RB, 1), row1),
        ],
        out_specs=[
            pl.BlockSpec((in_c, 2), lambda i: (0, 0)),
            pl.BlockSpec((1, 2), lambda i: (0, 0)),
        ],
        out_shape=[
            jax.ShapeDtypeStruct((in_c, 2), F32),
            jax.ShapeDtypeStruct((1, 2), F32),
        ],
    )(num2, b2.reshape(1, out_c), y_p, tm_p, emb, s)


def _k5b_body(emb_ref, t_ref, out_ref):
    comb = jnp.dot(emb_ref[...], t_ref[...], preferred_element_type=F32)
    m = jnp.max(comb, axis=1, keepdims=True)
    ex = jnp.exp(comb - m)
    out_ref[...] = ex / jnp.sum(ex, axis=1, keepdims=True)


def _run_k5b(n, n_pad, in_c, emb, t):
    grid = _rup(n, RB) // RB
    return pl.pallas_call(
        _k5b_body,
        grid=(grid,),
        in_specs=[
            pl.BlockSpec((RB, in_c), lambda i: (i, 0)),
            pl.BlockSpec((in_c, 2), lambda i: (0, 0)),
        ],
        out_specs=pl.BlockSpec((RB, 2), lambda i: (i, 0)),
        out_shape=jax.ShapeDtypeStruct((n, 2), F32),
    )(emb, t)


def _k5c_body(emb_i_ref, emb_j_ref, s_ref, out_ref):
    g = lax.dot_general(emb_i_ref[...], emb_j_ref[...],
                        (((1,), (1,)), ((), ())), preferred_element_type=F32)
    out_ref[...] = g * (1.0 / (s_ref[...] + 1e-6))


def _run_k5c(n, n_pad, in_c, emb, s_row):
    BM, BN = 512, 1024
    gi, gj = _rup(n, BM) // BM, _rup(n, BN) // BN
    return pl.pallas_call(
        _k5c_body,
        grid=(gi, gj),
        in_specs=[
            pl.BlockSpec((BM, in_c), lambda i, j: (i, 0)),
            pl.BlockSpec((BN, in_c), lambda i, j: (j, 0)),
            pl.BlockSpec((1, BN), lambda i, j: (0, j)),
        ],
        out_specs=pl.BlockSpec((BM, BN), lambda i, j: (i, j)),
        out_shape=jax.ShapeDtypeStruct((n, n), F32),
    )(emb, emb, s_row)


def kernel(x, edge_index, train_mask, y, W1, a_s1, a_d1, b1, bn_gamma,
           bn_beta, bn_mean, bn_var, W2, a_s2, a_d2, b2, embedding_w,
           logit_p):
    n, in_c = x.shape
    hid_c = W1.shape[1]
    out_c = W2.shape[1]
    e = edge_index.shape[1]
    e_tot = e + n
    n_pad = _rup(n, NS * CH)
    e_pad = _rup(e_tot, NW * CH)
    r1 = hid_c
    r2 = 128

    x_p = jnp.pad(x, ((0, n_pad - n), (0, 0)))
    loops = jnp.arange(n, dtype=edge_index.dtype)
    pad_idx = jnp.full((e_pad - e_tot,), n, dtype=edge_index.dtype)
    src = jnp.concatenate([edge_index[0], loops, pad_idx])
    dst = jnp.concatenate([edge_index[1], loops, pad_idx])
    y_p = jnp.pad(y, (0, n_pad - n)).reshape(n_pad, 1)
    tm_p = jnp.pad(train_mask.astype(F32), (0, n_pad - n)).reshape(n_pad, 1)

    h1e, es1, ed1, emb, s = _run_k1(
        n, n_pad, in_c, hid_c, r1, x_p, W1, a_s1, a_d1, logit_p, embedding_w)

    edge_k1 = _make_edge_kernel(n_pad, e_pad, r1, True)
    num1, den1 = edge_k1(h1e, es1.reshape(n_pad), ed1.reshape(n_pad),
                         src, dst)

    h2e, es2, ed2 = _run_k3(
        n, n_pad, hid_c, out_c, r1, r2, num1,
        den1.reshape(NC, NS, n_pad, 1), b1, bn_gamma, bn_beta,
        bn_mean, bn_var, W2, a_s2, a_d2)

    edge_k2 = _make_edge_kernel(n_pad, e_pad, r2, False)
    num2 = edge_k2(h2e, es2.reshape(n_pad), ed2.reshape(n_pad), src, dst)

    t, ls = _run_k5a(n, n_pad, in_c, out_c, r2, num2, b2, y_p, tm_p, emb, s)
    norm_node_p = _run_k5b(n, n_pad, in_c, emb, t)
    graph = _run_k5c(n, n_pad, in_c, emb, s.reshape(1, n_pad))
    loss1 = -(ls[0, 0] / ls[0, 1])
    return (norm_node_p, loss1, graph)

# --- scband reference (transcript-rebuilt; emitter-appended) ---
"""Pipeline reference for scband-graph-cnn-generalization-36636071035353 (READ-ONLY COPY).

The authoritative reference and input builder live on the scoring server;
editing this copy changes nothing except your own understanding.
"""

import jax, jax.numpy as jnp
import numpy as np

EPSILON = float(np.finfo(float).eps)

N, E, IN_C, HID_C, OUT_C = 10000, 320000, 128, 128, 8


def _gat(x, src, dst, W, a_s, a_d, b, n):
    h = x @ W
    es = (h * a_s).sum(-1)
    ed_ = (h * a_d).sum(-1)
    e = jax.nn.leaky_relu(es[src] + ed_[dst], 0.2)
    m = jax.ops.segment_max(e, dst, num_segments=n)
    e = jnp.exp(e - m[dst])
    z = jax.ops.segment_sum(e, dst, num_segments=n)
    alpha = e / (z[dst] + 1e-16)
    return jax.ops.segment_sum(h[src] * alpha[:, None], dst, num_segments=n) + b


def setup_inputs(seed: int = 0):
    key = jax.random.key(seed)
    ks = jax.random.split(key, 12)
    x = jax.random.uniform(ks[0], (N, IN_C), dtype=jnp.float32)
    edge_index = jax.random.randint(ks[1], (2, E), 0, N, dtype=jnp.int32)
    train_mask = jax.random.bernoulli(ks[2], 0.5, (N,))
    y = jax.random.randint(ks[3], (N,), 0, OUT_C, dtype=jnp.int32)
    W1 = jax.random.normal(ks[4], (IN_C, HID_C), dtype=jnp.float32) / np.sqrt(IN_C)
    a_s1 = jax.random.normal(ks[5], (HID_C,), dtype=jnp.float32) * 0.1
    a_d1 = jax.random.normal(ks[6], (HID_C,), dtype=jnp.float32) * 0.1
    b1 = jnp.zeros((HID_C,), dtype=jnp.float32)
    W2 = jax.random.normal(ks[7], (HID_C, OUT_C), dtype=jnp.float32) / np.sqrt(HID_C)
    a_s2 = jax.random.normal(ks[8], (OUT_C,), dtype=jnp.float32) * 0.1
    a_d2 = jax.random.normal(ks[9], (OUT_C,), dtype=jnp.float32) * 0.1
    b2 = jnp.zeros((OUT_C,), dtype=jnp.float32)
    return {
        'x': x, 'edge_index': edge_index, 'train_mask': train_mask, 'y': y,
        'W1': W1, 'a_s1': a_s1, 'a_d1': a_d1, 'b1': b1,
        'bn_gamma': jnp.ones((HID_C,), dtype=jnp.float32),
        'bn_beta': jnp.zeros((HID_C,), dtype=jnp.float32),
        'bn_mean': jnp.zeros((HID_C,), dtype=jnp.float32),
        'bn_var': jnp.ones((HID_C,), dtype=jnp.float32),
        'W2': W2, 'a_s2': a_s2, 'a_d2': a_d2, 'b2': b2,
        'embedding_w': jnp.zeros((IN_C,), dtype=jnp.float32),
        'logit_p': jnp.zeros((IN_C,), dtype=jnp.float32),
    }


def reference(x, edge_index, train_mask, y, W1, a_s1, a_d1, b1, bn_gamma, bn_beta, bn_mean, bn_var, W2, a_s2, a_d2, b2, embedding_w, logit_p):
    n = x.shape[0]
    loops = jnp.arange(n, dtype=edge_index.dtype)
    src = jnp.concatenate([edge_index[0], loops])
    dst = jnp.concatenate([edge_index[1], loops])
    # eval mode: F.dropout(x, 0.6) is identity
    hid = _gat(x, src, dst, W1, a_s1, a_d1, b1, n)
    hid = (hid - bn_mean) / jnp.sqrt(bn_var + 1e-5) * bn_gamma + bn_beta
    hid = jax.nn.leaky_relu(hid, 0.01)
    out = _gat(hid, src, dst, W2, a_s2, a_d2, b2, n)
    out = jax.nn.log_softmax(out, axis=1)
    # GeneralizationGraph (eval mode ConcreteDropout: unif_noise = 0.5)
    p = jax.nn.sigmoid(logit_p)
    u = jnp.full_like(logit_p, 0.5)
    approx = (jnp.log(p + EPSILON) - jnp.log(1.0 - p + EPSILON)
              + jnp.log(u + EPSILON) - jnp.log(1.0 - u + EPSILON))
    keep = 1.0 - jax.nn.sigmoid(approx / 0.1)
    emb = x * keep
    pw_vimp = 1.0 - p
    ew = jax.nn.sigmoid(embedding_w)
    ed2 = emb * ew
    graph = (ed2 @ ed2.T) / (ed2.sum(axis=1) + 1e-6)
    node_p = jnp.exp(out[:, 1]).reshape(n, 1)
    adj_p = graph @ node_p
    adj_n = graph @ (1.0 - node_p)
    comb = jnp.concatenate([adj_n, adj_p], axis=1)
    norm_node_p = jax.nn.softmax(comb, axis=1)
    vals = jnp.take_along_axis(out, y[:, None], axis=1)[:, 0]
    cnt = jnp.sum(train_mask.astype(vals.dtype))
    loss1 = -jnp.sum(jnp.where(train_mask, vals, jnp.zeros_like(vals))) / cnt
    return (norm_node_p, loss1, graph)

if __name__ == "__main__":
    import jax
    _d = setup_inputs()
    print(jax.jit(kernel)(*tuple(_d.values())))

</pallas_src>

<mosaic_0001>
#map = affine_map<(d0, d1) -> (0, 0)>
#map1 = affine_map<(d0, d1) -> (0)>
#map2 = affine_map<(d0, d1) -> (0, 0, 0)>
module attributes {stable_mosaic.version = 14 : i64} {
  func.func @edge_body(%arg0: i32, %arg1: i32, %arg2: memref<10240x128xf32, #tpu.memory_space<hbm>>, %arg3: memref<10240xf32, #tpu.memory_space<hbm>>, %arg4: memref<10240xf32, #tpu.memory_space<hbm>>, %arg5: memref<331776xi32, #tpu.memory_space<hbm>>, %arg6: memref<331776xi32, #tpu.memory_space<hbm>>, %arg7: memref<2x10240x128xf32, #tpu.memory_space<hbm>>, %arg8: memref<2x16x10240xf32, #tpu.memory_space<hbm>>, %arg9: memref<10240xf32, #tpu.memory_space<vmem>>, %arg10: memref<10240xf32, #tpu.memory_space<vmem>>, %arg11: memref<128xi32, #tpu.memory_space<vmem>>, %arg12: memref<128xi32, #tpu.memory_space<vmem>>, %arg13: memref<128xf32, #tpu.memory_space<vmem>>, %arg14: memref<128x128xf32, #tpu.memory_space<vmem>>, %arg15: memref<10240x128xf32, #tpu.memory_space<vmem_shared>>, %arg16: memref<!tpu.dma_semaphore, #tpu.memory_space<semaphore_mem>>, %arg17: memref<10240xf32, #tpu.memory_space<vmem>>, %arg18: memref<32xi32, #tpu.memory_space<vmem>>, %arg19: memref<32xi32, #tpu.memory_space<vmem>>, %arg20: memref<16xf32, #tpu.memory_space<vmem>>) attributes {dimension_semantics = [#tpu.dimension_semantics<core_parallel>, #tpu.dimension_semantics<subcore_parallel>], iteration_bounds = array<i64: 2, 16>, scalar_prefetch = 0 : i64, scratch_operands = 12 : i64, tpu.core_type = #tpu.core_type<sc_vector_subcore>, window_params = [{transform_indices = #map}, {transform_indices = #map1}, {transform_indices = #map1}, {transform_indices = #map1}, {transform_indices = #map1}, {transform_indices = #map2}, {transform_indices = #map2}]} {
    %mul3A = arith.constant 2 : i32
    %mul3A_0 = arith.muli %arg1, %mul3A : i32
    %add3A = arith.addi %mul3A_0, %arg0 : i32
    "tpu.region"() ({
      %run_scoped3A = tpu.sem_alloc : memref<!tpu.dma_semaphore, #tpu.memory_space<semaphore_mem>>
      tpu.enqueue_dma source(%arg3 : memref<10240xf32, #tpu.memory_space<hbm>>) target(%arg9 : memref<10240xf32, #tpu.memory_space<vmem>>) target_semaphore(%run_scoped3A : memref<!tpu.dma_semaphore, #tpu.memory_space<semaphore_mem>>)
      tpu.wait_dma2 semaphore(%run_scoped3A : memref<!tpu.dma_semaphore, #tpu.memory_space<semaphore_mem>>) src(%arg3 : memref<10240xf32, #tpu.memory_space<hbm>>) dst(%arg9 : memref<10240xf32, #tpu.memory_space<vmem>>)
      tpu.yield
    }) : () -> ()
    "tpu.region"() ({
      %run_scoped3A = tpu.sem_alloc : memref<!tpu.dma_semaphore, #tpu.memory_space<semaphore_mem>>
      tpu.enqueue_dma source(%arg4 : memref<10240xf32, #tpu.memory_space<hbm>>) target(%arg10 : memref<10240xf32, #tpu.memory_space<vmem>>) target_semaphore(%run_scoped3A : memref<!tpu.dma_semaphore, #tpu.memory_space<semaphore_mem>>)
      tpu.wait_dma2 semaphore(%run_scoped3A : memref<!tpu.dma_semaphore, #tpu.memory_space<semaphore_mem>>) src(%arg4 : memref<10240xf32, #tpu.memory_space<hbm>>) dst(%arg10 : memref<10240xf32, #tpu.memory_space<vmem>>)
      tpu.yield
    }) : () -> ()
    %broadcast_in_dim3A = arith.constant 0.000000e+00 : f32
    %broadcast_in_dim3A_1 = vector.broadcast %broadcast_in_dim3A : f32 to vector<16xf32>
    %iota3A = tpu.iota {dimensions = array<i32: 0>} : vector<16xi32>
    %scan3A = arith.constant 0 : i32
    %scan3A_2 = arith.constant 128 : i32
    %scan3A_3 = arith.addi %scan3A, %scan3A_2 : i32
    %scan3A_4 = arith.constant 1 : i32
    scf.for %scan3A_36 = %scan3A to %scan3A_3 step %scan3A_4  : i32 {
      %mul3A_37 = arith.constant 1 : i32
      %mul3A_38 = arith.muli %scan3A_36, %mul3A_37 : i32
      %add3A_39 = arith.constant 0 : i32
      %add3A_40 = arith.addi %add3A_39, %mul3A_38 : i32
      %swap3A_41 = arith.index_cast %add3A_40 : i32 to index
      %swap3A_42 = arith.constant 0 : index
      %swap3A_43 = tpu.vector_load %arg14[%swap3A_41, %swap3A_42] {strides = array<i32>} : memref<128x128xf32, #tpu.memory_space<vmem>>, vector<16xf32>,
      tpu.vector_store %arg14[%swap3A_41, %swap3A_42], %broadcast_in_dim3A_1 {strides = array<i32>} : memref<128x128xf32, #tpu.memory_space<vmem>>, vector<16xf32>,
      %swap3A_44 = arith.index_cast %add3A_40 : i32 to index
      %swap3A_45 = arith.constant 16 : index
      %swap3A_46 = tpu.vector_load %arg14[%swap3A_44, %swap3A_45] {strides = array<i32>} : memref<128x128xf32, #tpu.memory_space<vmem>>, vector<16xf32>,
      tpu.vector_store %arg14[%swap3A_44, %swap3A_45], %broadcast_in_dim3A_1 {strides = array<i32>} : memref<128x128xf32, #tpu.memory_space<vmem>>, vector<16xf32>,
      %swap3A_47 = arith.index_cast %add3A_40 : i32 to index
      %swap3A_48 = arith.constant 32 : index
      %swap3A_49 = tpu.vector_load %arg14[%swap3A_47, %swap3A_48] {strides = array<i32>} : memref<128x128xf32, #tpu.memory_space<vmem>>, vector<16xf32>,
      tpu.vector_store %arg14[%swap3A_47, %swap3A_48], %broadcast_in_dim3A_1 {strides = array<i32>} : memref<128x128xf32, #tpu.memory_space<vmem>>, vector<16xf32>,
      %swap3A_50 = arith.index_cast %add3A_40 : i32 to index
      %swap3A_51 = arith.constant 48 : index
      %swap3A_52 = tpu.vector_load %arg14[%swap3A_50, %swap3A_51] {strides = array<i32>} : memref<128x128xf32, #tpu.memory_space<vmem>>, vector<16xf32>,
      tpu.vector_store %arg14[%swap3A_50, %swap3A_51], %broadcast_in_dim3A_1 {strides = array<i32>} : memref<128x128xf32, #tpu.memory_space<vmem>>, vector<16xf32>,
      %swap3A_53 = arith.index_cast %add3A_40 : i32 to index
      %swap3A_54 = arith.constant 64 : index
      %swap3A_55 = tpu.vector_load %arg14[%swap3A_53, %swap3A_54] {strides = array<i32>} : memref<128x128xf32, #tpu.memory_space<vmem>>, vector<16xf32>,
      tpu.vector_store %arg14[%swap3A_53, %swap3A_54], %broadcast_in_dim3A_1 {strides = array<i32>} : memref<128x128xf32, #tpu.memory_space<vmem>>, vector<16xf32>,
      %swap3A_56 = arith.index_cast %add3A_40 : i32 to index
      %swap3A_57 = arith.constant 80 : index
      %swap3A_58 = tpu.vector_load %arg14[%swap3A_56, %swap3A_57] {strides = array<i32>} : memref<128x128xf32, #tpu.memory_space<vmem>>, vector<16xf32>,
      tpu.vector_store %arg14[%swap3A_56, %swap3A_57], %broadcast_in_dim3A_1 {strides = array<i32>} : memref<128x128xf32, #tpu.memory_space<vmem>>, vector<16xf32>,
      %swap3A_59 = arith.index_cast %add3A_40 : i32 to index
      %swap3A_60 = arith.constant 96 : index
      %swap3A_61 = tpu.vector_load %arg14[%swap3A_59, %swap3A_60] {strides = array<i32>} : memref<128x128xf32, #tpu.memory_space<vmem>>, vector<16xf32>,
      tpu.vector_store %arg14[%swap3A_59, %swap3A_60], %broadcast_in_dim3A_1 {strides = array<i32>} : memref<128x128xf32, #tpu.memory_space<vmem>>, vector<16xf32>,
      %swap3A_62 = arith.index_cast %add3A_40 : i32 to index
      %swap3A_63 = arith.constant 112 : index
      %swap3A_64 = tpu.vector_load %arg14[%swap3A_62, %swap3A_63] {strides = array<i32>} : memref<128x128xf32, #tpu.memory_space<vmem>>, vector<16xf32>,
      tpu.vector_store %arg14[%swap3A_62, %swap3A_63], %broadcast_in_dim3A_1 {strides = array<i32>} : memref<128x128xf32, #tpu.memory_space<vmem>>, vector<16xf32>,
    }
    %scan3A_5 = arith.constant 128 : i32
    %scan3A_6 = arith.constant 0 : i32
    %scan3A_7 = arith.constant 5 : i32
    %scan3A_8 = arith.addi %scan3A_6, %scan3A_7 : i32
    %scan3A_9 = arith.constant 1 : i32
    scf.for %scan3A_36 = %scan3A_6 to %scan3A_8 step %scan3A_9  : i32 {
      %mul3A_37 = arith.constant 1 : i32
      %mul3A_38 = arith.muli %scan3A_36, %mul3A_37 : i32
      %add3A_39 = arith.constant 0 : i32
      %add3A_40 = arith.addi %add3A_39, %mul3A_38 : i32
      %mul3A_41 = arith.constant 640 : i32
      %mul3A_42 = arith.muli %arg1, %mul3A_41 : i32
      %mul3A_43 = arith.constant 128 : i32
      %mul3A_44 = arith.muli %add3A_40, %mul3A_43 : i32
      %add3A_45 = arith.addi %mul3A_42, %mul3A_44 : i32
      "tpu.region"() ({
        %run_scoped3A = tpu.sem_alloc : memref<!tpu.dma_semaphore, #tpu.memory_space<semaphore_mem>>
        %dma_start3A = arith.constant 0 : i32
        %dma_start3A_46 = tpu.memref_slice %arg15[%add3A_45, %dma_start3A] : memref<10240x128xf32, #tpu.memory_space<vmem_shared>> -> memref<128x128xf32, #tpu.memory_space<vmem_shared>>
        %dma_start3A_47 = arith.constant 0 : i32
        %dma_start3A_48 = tpu.memref_slice %arg15[%add3A_45, %dma_start3A_47] : memref<10240x128xf32, #tpu.memory_space<vmem_shared>> -> memref<128x128xf32, #tpu.memory_space<vmem_shared>>
        tpu.enqueue_dma source(%arg14 : memref<128x128xf32, #tpu.memory_space<vmem>>) target(%dma_start3A_48 : memref<128x128xf32, #tpu.memory_space<vmem_shared>>) target_semaphore(%run_scoped3A : memref<!tpu.dma_semaphore, #tpu.memory_space<semaphore_mem>>)
        %dma_wait3A = arith.constant 0 : i32
        %dma_wait3A_49 = tpu.memref_slice %arg15[%add3A_45, %dma_wait3A] : memref<10240x128xf32, #tpu.memory_space<vmem_shared>> -> memref<128x128xf32, #tpu.memory_space<vmem_shared>>
        %dma_wait3A_50 = arith.constant 0 : i32
        %dma_wait3A_51 = tpu.memref_slice %arg15[%add3A_45, %dma_wait3A_50] : memref<10240x128xf32, #tpu.memory_space<vmem_shared>> -> memref<128x128xf32, #tpu.memory_space<vmem_shared>>
        tpu.wait_dma2 semaphore(%run_scoped3A : memref<!tpu.dma_semaphore, #tpu.memory_space<semaphore_mem>>) src(%arg14 : memref<128x128xf32, #tpu.memory_space<vmem>>) dst(%dma_wait3A_51 : memref<128x128xf32, #tpu.memory_space<vmem_shared>>)
        tpu.yield
      }) : () -> ()
    }
    %scan3A_10 = arith.constant 5 : i32
    %broadcast_in_dim3A_11 = arith.constant 0 : i32
    %broadcast_in_dim3A_12 = vector.broadcast %broadcast_in_dim3A_11 : i32 to vector<16xi32>
    %swap3A = arith.constant 0 : index
    %swap3A_13 = tpu.vector_load %arg18[%swap3A] {strides = array<i32>} : memref<32xi32, #tpu.memory_space<vmem>>, vector<16xi32>,
    tpu.vector_store %arg18[%swap3A], %broadcast_in_dim3A_12 {strides = array<i32>} : memref<32xi32, #tpu.memory_space<vmem>>, vector<16xi32>,
    %swap3A_14 = arith.constant 16 : index
    %swap3A_15 = tpu.vector_load %arg18[%swap3A_14] {strides = array<i32>} : memref<32xi32, #tpu.memory_space<vmem>>, vector<16xi32>,
    tpu.vector_store %arg18[%swap3A_14], %broadcast_in_dim3A_12 {strides = array<i32>} : memref<32xi32, #tpu.memory_space<vmem>>, vector<16xi32>,
    %swap3A_16 = arith.constant 0 : index
    %swap3A_17 = tpu.vector_load %arg19[%swap3A_16] {strides = array<i32>} : memref<32xi32, #tpu.memory_space<vmem>>, vector<16xi32>,
    tpu.vector_store %arg19[%swap3A_16], %broadcast_in_dim3A_12 {strides = array<i32>} : memref<32xi32, #tpu.memory_space<vmem>>, vector<16xi32>,
    %swap3A_18 = arith.constant 16 : index
    %swap3A_19 = tpu.vector_load %arg19[%swap3A_18] {strides = array<i32>} : memref<32xi32, #tpu.memory_space<vmem>>, vector<16xi32>,
    tpu.vector_store %arg19[%swap3A_18], %broadcast_in_dim3A_12 {strides = array<i32>} : memref<32xi32, #tpu.memory_space<vmem>>, vector<16xi32>,
    %scan3A_20 = arith.constant 0 : i32
    %scan3A_21 = arith.constant 640 : i32
    %scan3A_22 = arith.addi %scan3A_20, %scan3A_21 : i32
    %scan3A_23 = arith.constant 1 : i32
    scf.for %scan3A_36 = %scan3A_20 to %scan3A_22 step %scan3A_23  : i32 {
      %mul3A_37 = arith.constant 1 : i32
      %mul3A_38 = arith.muli %scan3A_36, %mul3A_37 : i32
      %add3A_39 = arith.constant 0 : i32
      %add3A_40 = arith.addi %add3A_39, %mul3A_38 : i32
      %mul3A_41 = arith.constant 16 : i32
      %mul3A_42 = arith.muli %add3A_40, %mul3A_41 : i32
      %swap3A_43 = arith.index_cast %mul3A_42 : i32 to index
      %swap3A_44 = tpu.vector_load %arg17[%swap3A_43] {strides = array<i32>} : memref<10240xf32, #tpu.memory_space<vmem>>, vector<16xf32>,
      tpu.vector_store %arg17[%swap3A_43], %broadcast_in_dim3A_1 {strides = array<i32>} : memref<10240xf32, #tpu.memory_space<vmem>>, vector<16xf32>,
    }
    %scan3A_24 = arith.constant 640 : i32
    %barrier3A = arith.constant 0 : index
    tpu.barrier barrier_id(%barrier3A)
    %scan3A_25 = arith.constant 0 : i32
    %scan3A_26 = arith.constant 81 : i32
    %scan3A_27 = arith.addi %scan3A_25, %scan3A_26 : i32
    %scan3A_28 = arith.constant 1 : i32
    scf.for %scan3A_36 = %scan3A_25 to %scan3A_27 step %scan3A_28  : i32 {
      %mul3A_37 = arith.constant 1 : i32
      %mul3A_38 = arith.muli %scan3A_36, %mul3A_37 : i32
      %add3A_39 = arith.constant 0 : i32
      %add3A_40 = arith.addi %add3A_39, %mul3A_38 : i32
      %mul3A_41 = arith.constant 10368 : i32
      %mul3A_42 = arith.muli %add3A, %mul3A_41 : i32
      %mul3A_43 = arith.constant 128 : i32
      %mul3A_44 = arith.muli %add3A_40, %mul3A_43 : i32
      %add3A_45 = arith.addi %mul3A_42, %mul3A_44 : i32
      "tpu.region"() ({
        %run_scoped3A = tpu.sem_alloc : memref<!tpu.dma_semaphore, #tpu.memory_space<semaphore_mem>>
        %dma_start3A_60 = tpu.memref_slice %arg5[%add3A_45] : memref<331776xi32, #tpu.memory_space<hbm>> -> memref<128xi32, #tpu.memory_space<hbm>>
        %dma_start3A_61 = tpu.memref_slice %arg5[%add3A_45] : memref<331776xi32, #tpu.memory_space<hbm>> -> memref<128xi32, #tpu.memory_space<hbm>>
        tpu.enqueue_dma source(%dma_start3A_61 : memref<128xi32, #tpu.memory_space<hbm>>) target(%arg11 : memref<128xi32, #tpu.memory_space<vmem>>) target_semaphore(%run_scoped3A : memref<!tpu.dma_semaphore, #tpu.memory_space<semaphore_mem>>)
        %dma_wait3A_62 = tpu.memref_slice %arg5[%add3A_45] : memref<331776xi32, #tpu.memory_space<hbm>> -> memref<128xi32, #tpu.memory_space<hbm>>
        %dma_wait3A_63 = tpu.memref_slice %arg5[%add3A_45] : memref<331776xi32, #tpu.memory_space<hbm>> -> memref<128xi32, #tpu.memory_space<hbm>>
        tpu.wait_dma2 semaphore(%run_scoped3A : memref<!tpu.dma_semaphore, #tpu.memory_space<semaphore_mem>>) src(%dma_wait3A_63 : memref<128xi32, #tpu.memory_space<hbm>>) dst(%arg11 : memref<128xi32, #tpu.memory_space<vmem>>)
        tpu.yield
      }) : () -> ()
      "tpu.region"() ({
        %run_scoped3A = tpu.sem_alloc : memref<!tpu.dma_semaphore, #tpu.memory_space<semaphore_mem>>
        %dma_start3A_60 = tpu.memref_slice %arg6[%add3A_45] : memref<331776xi32, #tpu.memory_space<hbm>> -> memref<128xi32, #tpu.memory_space<hbm>>
        %dma_start3A_61 = tpu.memref_slice %arg6[%add3A_45] : memref<331776xi32, #tpu.memory_space<hbm>> -> memref<128xi32, #tpu.memory_space<hbm>>
        tpu.enqueue_dma source(%dma_start3A_61 : memref<128xi32, #tpu.memory_space<hbm>>) target(%arg12 : memref<128xi32, #tpu.memory_space<vmem>>) target_semaphore(%run_scoped3A : memref<!tpu.dma_semaphore, #tpu.memory_space<semaphore_mem>>)
        %dma_wait3A_62 = tpu.memref_slice %arg6[%add3A_45] : memref<331776xi32, #tpu.memory_space<hbm>> -> memref<128xi32, #tpu.memory_space<hbm>>
        %dma_wait3A_63 = tpu.memref_slice %arg6[%add3A_45] : memref<331776xi32, #tpu.memory_space<hbm>> -> memref<128xi32, #tpu.memory_space<hbm>>
        tpu.wait_dma2 semaphore(%run_scoped3A : memref<!tpu.dma_semaphore, #tpu.memory_space<semaphore_mem>>) src(%dma_wait3A_63 : memref<128xi32, #tpu.memory_space<hbm>>) dst(%arg12 : memref<128xi32, #tpu.memory_space<vmem>>)
        tpu.yield
      }) : () -> ()
      %dma_start3A = arith.constant 0 : i32
      %dma_start3A_46 = arith.constant 0 : i32
      %dma_start3A_47 = tpu.memref_slice %arg2[%dma_start3A, %dma_start3A_46] : memref<10240x128xf32, #tpu.memory_space<hbm>> -> memref<10240x128xf32, #tpu.memory_space<hbm>>
      tpu.enqueue_indirect_dma source(%dma_start3A_47 : memref<10240x128xf32, #tpu.memory_space<hbm>>) target(%arg14 : memref<128x128xf32, #tpu.memory_space<vmem>>) offsets(%arg11 : memref<128xi32, #tpu.memory_space<vmem>>) semaphore(%arg16 : memref<!tpu.dma_semaphore, #tpu.memory_space<semaphore_mem>>)
      %dma_wait3A = arith.constant 0 : i32
      %dma_wait3A_48 = arith.constant 0 : i32
      %dma_wait3A_49 = tpu.memref_slice %arg2[%dma_wait3A, %dma_wait3A_48] : memref<10240x128xf32, #tpu.memory_space<hbm>> -> memref<10240x128xf32, #tpu.memory_space<hbm>>
      tpu.wait_indirect_dma semaphore(%arg16 : memref<!tpu.dma_semaphore, #tpu.memory_space<semaphore_mem>>) src(%dma_wait3A_49 : memref<10240x128xf32, #tpu.memory_space<hbm>>) dst(%arg14 : memref<128x128xf32, #tpu.memory_space<vmem>>)
      %scan3A_50 = arith.constant 0 : i32
      %scan3A_51 = arith.constant 8 : i32
      %scan3A_52 = arith.addi %scan3A_50, %scan3A_51 : i32
      %scan3A_53 = arith.constant 1 : i32
      scf.for %scan3A_60 = %scan3A_50 to %scan3A_52 step %scan3A_53  : i32 {
        %mul3A_61 = arith.constant 1 : i32
        %mul3A_62 = arith.muli %scan3A_60, %mul3A_61 : i32
        %add3A_63 = arith.constant 0 : i32
        %add3A_64 = arith.addi %add3A_63, %mul3A_62 : i32
        %mul3A_65 = arith.constant 16 : i32
        %mul3A_66 = arith.muli %add3A_64, %mul3A_65 : i32
        %get3A = arith.index_cast %mul3A_66 : i32 to index
        %get3A_67 = tpu.vector_load %arg12[%get3A] {strides = array<i32>} : memref<128xi32, #tpu.memory_space<vmem>>, vector<16xi32>,
        %get3A_68 = arith.index_cast %mul3A_66 : i32 to index
        %get3A_69 = tpu.vector_load %arg11[%get3A_68] {strides = array<i32>} : memref<128xi32, #tpu.memory_space<vmem>>, vector<16xi32>,
        %gather3A = tpu.vector_load_idx %arg9[%get3A_69] : memref<10240xf32, #tpu.memory_space<vmem>>[vector<16xi32>], vector<16xf32>,
        %gather3A_70 = tpu.vector_load_idx %arg10[%get3A_67] : memref<10240xf32, #tpu.memory_space<vmem>>[vector<16xi32>], vector<16xf32>,
        %add3A_71 = arith.addf %gather3A, %gather3A_70 : vector<16xf32>
        %mul3A_72 = arith.constant 2.000000e-01 : f32
        %mul3A_73 = vector.broadcast %mul3A_72 : f32 to vector<16xf32>
        %mul3A_74 = arith.mulf %mul3A_73, %add3A_71 : vector<16xf32>
        %max3A = arith.maximumf %add3A_71, %mul3A_74 : vector<16xf32>
        %exp3A = math.exp %max3A : vector<16xf32>
        %swap3A_75 = arith.index_cast %mul3A_66 : i32 to index
        %swap3A_76 = tpu.vector_load %arg13[%swap3A_75] {strides = array<i32>} : memref<128xf32, #tpu.memory_space<vmem>>, vector<16xf32>,
        tpu.vector_store %arg13[%swap3A_75], %exp3A {strides = array<i32>} : memref<128xf32, #tpu.memory_space<vmem>>, vector<16xf32>,
        %masked_sort3A = arith.constant dense<true> : vector<16xi1>
        %masked_sort3A_77 = arith.constant -2147483648 : i32
        %masked_sort3A_78 = vector.broadcast %masked_sort3A_77 : i32 to vector<16xi32>
        %masked_sort3A_79 = arith.xori %get3A_67, %masked_sort3A_78 : vector<16xi32>
        %masked_sort3A_80, %masked_sort3A_81, %masked_sort3A_82 = tpu.sort %masked_sort3A_79, %exp3A masked %masked_sort3A : (vector<16xi32>, vector<16xf32>, vector<16xi1>) -> (vector<16xi1>, vector<16xi32>, vector<16xf32>)
        %masked_sort3A_83 = arith.xori %masked_sort3A_81, %masked_sort3A_78 : vector<16xi32>
        %broadcast_in_dim3A_84 = arith.constant true
        %broadcast_in_dim3A_85 = vector.broadcast %broadcast_in_dim3A_84 : i1 to vector<16xi1>
        %masked_cumsum3A = tpu.scan <sum>, %masked_sort3A_82 masked %broadcast_in_dim3A_85 : vector<16xf32>, vector<16xi1> -> vector<16xf32>
        %swap3A_86 = arith.constant 1 : index
        %swap3A_87 = tpu.vector_load %arg18[%swap3A_86] {strides = array<i32>} : memref<32xi32, #tpu.memory_space<vmem>>, vector<16xi32>,
        tpu.vector_store %arg18[%swap3A_86], %masked_sort3A_83 {strides = array<i32>} : memref<32xi32, #tpu.memory_space<vmem>>, vector<16xi32>,
        %swap3A_88 = arith.constant 0 : index
        %swap3A_89 = tpu.vector_load %arg19[%swap3A_88] {strides = array<i32>} : memref<32xi32, #tpu.memory_space<vmem>>, vector<16xi32>,
        tpu.vector_store %arg19[%swap3A_88], %masked_sort3A_83 {strides = array<i32>} : memref<32xi32, #tpu.memory_space<vmem>>, vector<16xi32>,
        %get3A_90 = arith.constant 0 : index
        %get3A_91 = tpu.vector_load %arg18[%get3A_90] {strides = array<i32>} : memref<32xi32, #tpu.memory_space<vmem>>, vector<16xi32>,
        %get3A_92 = arith.constant 1 : index
        %get3A_93 = tpu.vector_load %arg19[%get3A_92] {strides = array<i32>} : memref<32xi32, #tpu.memory_space<vmem>>, vector<16xi32>,
        %eq3A = arith.constant 0 : i32
        %eq3A_94 = vector.broadcast %eq3A : i32 to vector<16xi32>
        %eq3A_95 = arith.cmpi eq, %iota3A, %eq3A_94 : vector<16xi32>
        %ne3A = arith.cmpi ne, %masked_sort3A_83, %get3A_91 : vector<16xi32>
        %or3A = arith.ori %eq3A_95, %ne3A : vector<16xi1>
        %eq3A_96 = arith.constant 15 : i32
        %eq3A_97 = vector.broadcast %eq3A_96 : i32 to vector<16xi32>
        %eq3A_98 = arith.cmpi eq, %iota3A, %eq3A_97 : vector<16xi32>
        %ne3A_99 = arith.cmpi ne, %masked_sort3A_83, %get3A_93 : vector<16xi32>
        %or3A_100 = arith.ori %eq3A_98, %ne3A_99 : vector<16xi1>
        %jit3A = arith.constant 0 : i32
        %broadcast_in_dim3A_101 = vector.broadcast %jit3A : i32 to vector<16xi32>
        %select_n3A = arith.select %or3A, %iota3A, %broadcast_in_dim3A_101 : vector<16xi1>, vector<16xi32>
        %broadcast_in_dim3A_102 = arith.constant true
        %broadcast_in_dim3A_103 = vector.broadcast %broadcast_in_dim3A_102 : i1 to vector<16xi1>
        %masked_cummax3A = arith.constant -2147483648 : i32
        %masked_cummax3A_104 = vector.broadcast %masked_cummax3A : i32 to vector<16xi32>
        %masked_cummax3A_105 = arith.xori %select_n3A, %masked_cummax3A_104 : vector<16xi32>
        %masked_cummax3A_106 = tpu.scan <max>, %masked_cummax3A_105 masked %broadcast_in_dim3A_103 : vector<16xi32>, vector<16xi1> -> vector<16xi32>
        %masked_cummax3A_107 = arith.xori %masked_cummax3A_106, %masked_cummax3A_104 : vector<16xi32>
        %swap3A_108 = arith.constant 0 : index
        %swap3A_109 = tpu.vector_load %arg20[%swap3A_108] {strides = array<i32>} : memref<16xf32, #tpu.memory_space<vmem>>, vector<16xf32>,
        tpu.vector_store %arg20[%swap3A_108], %masked_cumsum3A {strides = array<i32>} : memref<16xf32, #tpu.memory_space<vmem>>, vector<16xf32>,
        %sub3A = arith.constant 1 : i32
        %sub3A_110 = vector.broadcast %sub3A : i32 to vector<16xi32>
        %sub3A_111 = arith.subi %masked_cummax3A_107, %sub3A_110 : vector<16xi32>
        %max3A_112 = arith.constant 0 : i32
        %max3A_113 = vector.broadcast %max3A_112 : i32 to vector<16xi32>
        %max3A_114 = arith.maxsi %sub3A_111, %max3A_113 : vector<16xi32>
        %gather3A_115 = tpu.vector_load_idx %arg20[%max3A_114] : memref<16xf32, #tpu.memory_space<vmem>>[vector<16xi32>], vector<16xf32>,
        %eq3A_116 = arith.constant 0 : i32
        %eq3A_117 = vector.broadcast %eq3A_116 : i32 to vector<16xi32>
        %eq3A_118 = arith.cmpi eq, %masked_cummax3A_107, %eq3A_117 : vector<16xi32>
        %jit3A_119 = arith.constant 0.000000e+00 : f32
        %broadcast_in_dim3A_120 = vector.broadcast %jit3A_119 : f32 to vector<16xf32>
        %select_n3A_121 = arith.select %eq3A_118, %broadcast_in_dim3A_120, %gather3A_115 : vector<16xi1>, vector<16xf32>
        %sub3A_122 = arith.subf %masked_cumsum3A, %select_n3A_121 : vector<16xf32>
        tpu.vector_store_idx %arg17[%masked_sort3A_83], %sub3A_122 masked %or3A_100 {add = true} : memref<10240xf32, #tpu.memory_space<vmem>>[vector<16xi32>], vector<16xf32>, vector<16xi1>
      }
      %scan3A_54 = arith.constant 8 : i32
      %scan3A_55 = arith.constant 0 : i32
      %scan3A_56 = arith.constant 128 : i32
      %scan3A_57 = arith.addi %scan3A_55, %scan3A_56 : i32
      %scan3A_58 = arith.constant 1 : i32
      scf.for %scan3A_60 = %scan3A_55 to %scan3A_57 step %scan3A_58  : i32 {
        %mul3A_61 = arith.constant 1 : i32
        %mul3A_62 = arith.muli %scan3A_60, %mul3A_61 : i32
        %add3A_63 = arith.constant 0 : i32
        %add3A_64 = arith.addi %add3A_63, %mul3A_62 : i32
        %broadcast_in_dim3A_65 = vector.broadcast %add3A_64 : i32 to vector<16xi32>
        %gather3A = tpu.vector_load_idx %arg13[%broadcast_in_dim3A_65] : memref<128xf32, #tpu.memory_space<vmem>>[vector<16xi32>], vector<16xf32>,
        %get3A = arith.index_cast %add3A_64 : i32 to index
        %get3A_66 = arith.constant 0 : index
        %get3A_67 = tpu.vector_load %arg14[%get3A, %get3A_66] {strides = array<i32>} : memref<128x128xf32, #tpu.memory_space<vmem>>, vector<16xf32>,
        %mul3A_68 = arith.mulf %get3A_67, %gather3A : vector<16xf32>
        %swap3A_69 = arith.index_cast %add3A_64 : i32 to index
        %swap3A_70 = arith.constant 0 : index
        %swap3A_71 = tpu.vector_load %arg14[%swap3A_69, %swap3A_70] {strides = array<i32>} : memref<128x128xf32, #tpu.memory_space<vmem>>, vector<16xf32>,
        tpu.vector_store %arg14[%swap3A_69, %swap3A_70], %mul3A_68 {strides = array<i32>} : memref<128x128xf32, #tpu.memory_space<vmem>>, vector<16xf32>,
        %get3A_72 = arith.index_cast %add3A_64 : i32 to index
        %get3A_73 = arith.constant 16 : index
        %get3A_74 = tpu.vector_load %arg14[%get3A_72, %get3A_73] {strides = array<i32>} : memref<128x128xf32, #tpu.memory_space<vmem>>, vector<16xf32>,
        %mul3A_75 = arith.mulf %get3A_74, %gather3A : vector<16xf32>
        %swap3A_76 = arith.index_cast %add3A_64 : i32 to index
        %swap3A_77 = arith.constant 16 : index
        %swap3A_78 = tpu.vector_load %arg14[%swap3A_76, %swap3A_77] {strides = array<i32>} : memref<128x128xf32, #tpu.memory_space<vmem>>, vector<16xf32>,
        tpu.vector_store %arg14[%swap3A_76, %swap3A_77], %mul3A_75 {strides = array<i32>} : memref<128x128xf32, #tpu.memory_space<vmem>>, vector<16xf32>,
        %get3A_79 = arith.index_cast %add3A_64 : i32 to index
        %get3A_80 = arith.constant 32 : index
        %get3A_81 = tpu.vector_load %arg14[%get3A_79, %get3A_80] {strides = array<i32>} : memref<128x128xf32, #tpu.memory_space<vmem>>, vector<16xf32>,
        %mul3A_82 = arith.mulf %get3A_81, %gather3A : vector<16xf32>
        %swap3A_83 = arith.index_cast %add3A_64 : i32 to index
        %swap3A_84 = arith.constant 32 : index
        %swap3A_85 = tpu.vector_load %arg14[%swap3A_83, %swap3A_84] {strides = array<i32>} : memref<128x128xf32, #tpu.memory_space<vmem>>, vector<16xf32>,
        tpu.vector_store %arg14[%swap3A_83, %swap3A_84], %mul3A_82 {strides = array<i32>} : memref<128x128xf32, #tpu.memory_space<vmem>>, vector<16xf32>,
        %get3A_86 = arith.index_cast %add3A_64 : i32 to index
        %get3A_87 = arith.constant 48 : index
        %get3A_88 = tpu.vector_load %arg14[%get3A_86, %get3A_87] {strides = array<i32>} : memref<128x128xf32, #tpu.memory_space<vmem>>, vector<16xf32>,
        %mul3A_89 = arith.mulf %get3A_88, %gather3A : vector<16xf32>
        %swap3A_90 = arith.index_cast %add3A_64 : i32 to index
        %swap3A_91 = arith.constant 48 : index
        %swap3A_92 = tpu.vector_load %arg14[%swap3A_90, %swap3A_91] {strides = array<i32>} : memref<128x128xf32, #tpu.memory_space<vmem>>, vector<16xf32>,
        tpu.vector_store %arg14[%swap3A_90, %swap3A_91], %mul3A_89 {strides = array<i32>} : memref<128x128xf32, #tpu.memory_space<vmem>>, vector<16xf32>,
        %get3A_93 = arith.index_cast %add3A_64 : i32 to index
        %get3A_94 = arith.constant 64 : index
        %get3A_95 = tpu.vector_load %arg14[%get3A_93, %get3A_94] {strides = array<i32>} : memref<128x128xf32, #tpu.memory_space<vmem>>, vector<16xf32>,
        %mul3A_96 = arith.mulf %get3A_95, %gather3A : vector<16xf32>
        %swap3A_97 = arith.index_cast %add3A_64 : i32 to index
        %swap3A_98 = arith.constant 64 : index
        %swap3A_99 = tpu.vector_load %arg14[%swap3A_97, %swap3A_98] {strides = array<i32>} : memref<128x128xf32, #tpu.memory_space<vmem>>, vector<16xf32>,
        tpu.vector_store %arg14[%swap3A_97, %swap3A_98], %mul3A_96 {strides = array<i32>} : memref<128x128xf32, #tpu.memory_space<vmem>>, vector<16xf32>,
        %get3A_100 = arith.index_cast %add3A_64 : i32 to index
        %get3A_101 = arith.constant 80 : index
        %get3A_102 = tpu.vector_load %arg14[%get3A_100, %get3A_101] {strides = array<i32>} : memref<128x128xf32, #tpu.memory_space<vmem>>, vector<16xf32>,
        %mul3A_103 = arith.mulf %get3A_102, %gather3A : vector<16xf32>
        %swap3A_104 = arith.index_cast %add3A_64 : i32 to index
        %swap3A_105 = arith.constant 80 : index
        %swap3A_106 = tpu.vector_load %arg14[%swap3A_104, %swap3A_105] {strides = array<i32>} : memref<128x128xf32, #tpu.memory_space<vmem>>, vector<16xf32>,
        tpu.vector_store %arg14[%swap3A_104, %swap3A_105], %mul3A_103 {strides = array<i32>} : memref<128x128xf32, #tpu.memory_space<vmem>>, vector<16xf32>,
        %get3A_107 = arith.index_cast %add3A_64 : i32 to index
        %get3A_108 = arith.constant 96 : index
        %get3A_109 = tpu.vector_load %arg14[%get3A_107, %get3A_108] {strides = array<i32>} : memref<128x128xf32, #tpu.memory_space<vmem>>, vector<16xf32>,
        %mul3A_110 = arith.mulf %get3A_109, %gather3A : vector<16xf32>
        %swap3A_111 = arith.index_cast %add3A_64 : i32 to index
        %swap3A_112 = arith.constant 96 : index
        %swap3A_113 = tpu.vector_load %arg14[%swap3A_111, %swap3A_112] {strides = array<i32>} : memref<128x128xf32, #tpu.memory_space<vmem>>, vector<16xf32>,
        tpu.vector_store %arg14[%swap3A_111, %swap3A_112], %mul3A_110 {strides = array<i32>} : memref<128x128xf32, #tpu.memory_space<vmem>>, vector<16xf32>,
        %get3A_114 = arith.index_cast %add3A_64 : i32 to index
        %get3A_115 = arith.constant 112 : index
        %get3A_116 = tpu.vector_load %arg14[%get3A_114, %get3A_115] {strides = array<i32>} : memref<128x128xf32, #tpu.memory_space<vmem>>, vector<16xf32>,
        %mul3A_117 = arith.mulf %get3A_116, %gather3A : vector<16xf32>
        %swap3A_118 = arith.index_cast %add3A_64 : i32 to index
        %swap3A_119 = arith.constant 112 : index
        %swap3A_120 = tpu.vector_load %arg14[%swap3A_118, %swap3A_119] {strides = array<i32>} : memref<128x128xf32, #tpu.memory_space<vmem>>, vector<16xf32>,
        tpu.vector_store %arg14[%swap3A_118, %swap3A_119], %mul3A_117 {strides = array<i32>} : memref<128x128xf32, #tpu.memory_space<vmem>>, vector<16xf32>,
      }
      %scan3A_59 = arith.constant 128 : i32
      "tpu.region"() ({
        %run_scoped3A = tpu.sem_alloc : memref<!tpu.dma_semaphore, #tpu.memory_space<semaphore_mem>>
        %dma_start3A_60 = arith.constant 0 : i32
        %dma_start3A_61 = arith.constant 0 : i32
        %dma_start3A_62 = tpu.memref_slice %arg15[%dma_start3A_60, %dma_start3A_61] : memref<10240x128xf32, #tpu.memory_space<vmem_shared>> -> memref<10240x128xf32, #tpu.memory_space<vmem_shared>>
        tpu.enqueue_indirect_dma source(%arg14 : memref<128x128xf32, #tpu.memory_space<vmem>>) target(%dma_start3A_62 : memref<10240x128xf32, #tpu.memory_space<vmem_shared>>) offsets(%arg12 : memref<128xi32, #tpu.memory_space<vmem>>) semaphore(%run_scoped3A : memref<!tpu.dma_semaphore, #tpu.memory_space<semaphore_mem>>) {add = true}
        %dma_wait3A_63 = arith.constant 0 : i32
        %dma_wait3A_64 = arith.constant 0 : i32
        %dma_wait3A_65 = tpu.memref_slice %arg15[%dma_wait3A_63, %dma_wait3A_64] : memref<10240x128xf32, #tpu.memory_space<vmem_shared>> -> memref<10240x128xf32, #tpu.memory_space<vmem_shared>>
        tpu.wait_indirect_dma semaphore(%run_scoped3A : memref<!tpu.dma_semaphore, #tpu.memory_space<semaphore_mem>>) src(%arg14 : memref<128x128xf32, #tpu.memory_space<vmem>>) dst(%dma_wait3A_65 : memref<10240x128xf32, #tpu.memory_space<vmem_shared>>)
        tpu.yield
      }) : () -> ()
    }
    %scan3A_29 = arith.constant 81 : i32
    %barrier3A_30 = arith.constant 0 : index
    tpu.barrier barrier_id(%barrier3A_30)
    %scan3A_31 = arith.constant 0 : i32
    %scan3A_32 = arith.constant 5 : i32
    %scan3A_33 = arith.addi %scan3A_31, %scan3A_32 : i32
    %scan3A_34 = arith.constant 1 : i32
    scf.for %scan3A_36 = %scan3A_31 to %scan3A_33 step %scan3A_34  : i32 {
      %mul3A_37 = arith.constant 1 : i32
      %mul3A_38 = arith.muli %scan3A_36, %mul3A_37 : i32
      %add3A_39 = arith.constant 0 : i32
      %add3A_40 = arith.addi %add3A_39, %mul3A_38 : i32
      %mul3A_41 = arith.constant 640 : i32
      %mul3A_42 = arith.muli %arg1, %mul3A_41 : i32
      %mul3A_43 = arith.constant 128 : i32
      %mul3A_44 = arith.muli %add3A_40, %mul3A_43 : i32
      %add3A_45 = arith.addi %mul3A_42, %mul3A_44 : i32
      "tpu.region"() ({
        %run_scoped3A = tpu.sem_alloc : memref<!tpu.dma_semaphore, #tpu.memory_space<semaphore_mem>>
        %dma_start3A = arith.constant 0 : i32
        %dma_start3A_46 = tpu.memref_slice %arg7[%arg0, %add3A_45, %dma_start3A] : memref<2x10240x128xf32, #tpu.memory_space<hbm>> -> memref<1x128x128xf32, #tpu.memory_space<hbm>>
        %dma_start3A_47 = tpu.memref_squeeze %dma_start3A_46 : memref<1x128x128xf32, #tpu.memory_space<hbm>> -> memref<128x128xf32, #tpu.memory_space<hbm>>
        %dma_start3A_48 = arith.constant 0 : i32
        %dma_start3A_49 = tpu.memref_slice %arg15[%add3A_45, %dma_start3A_48] : memref<10240x128xf32, #tpu.memory_space<vmem_shared>> -> memref<128x128xf32, #tpu.memory_space<vmem_shared>>
        tpu.enqueue_dma source(%dma_start3A_49 : memref<128x128xf32, #tpu.memory_space<vmem_shared>>) target(%dma_start3A_47 : memref<128x128xf32, #tpu.memory_space<hbm>>) target_semaphore(%run_scoped3A : memref<!tpu.dma_semaphore, #tpu.memory_space<semaphore_mem>>)
        %dma_wait3A = arith.constant 0 : i32
        %dma_wait3A_50 = tpu.memref_slice %arg7[%arg0, %add3A_45, %dma_wait3A] : memref<2x10240x128xf32, #tpu.memory_space<hbm>> -> memref<1x128x128xf32, #tpu.memory_space<hbm>>
        %dma_wait3A_51 = tpu.memref_squeeze %dma_wait3A_50 : memref<1x128x128xf32, #tpu.memory_space<hbm>> -> memref<128x128xf32, #tpu.memory_space<hbm>>
        %dma_wait3A_52 = arith.constant 0 : i32
        %dma_wait3A_53 = tpu.memref_slice %arg15[%add3A_45, %dma_wait3A_52] : memref<10240x128xf32, #tpu.memory_space<vmem_shared>> -> memref<128x128xf32, #tpu.memory_space<vmem_shared>>
        tpu.wait_dma2 semaphore(%run_scoped3A : memref<!tpu.dma_semaphore, #tpu.memory_space<semaphore_mem>>) src(%dma_wait3A_53 : memref<128x128xf32, #tpu.memory_space<vmem_shared>>) dst(%dma_wait3A_51 : memref<128x128xf32, #tpu.memory_space<hbm>>)
        tpu.yield
      }) : () -> ()
    }
    %scan3A_35 = arith.constant 5 : i32
    "tpu.region"() ({
      %run_scoped3A = tpu.sem_alloc : memref<!tpu.dma_semaphore, #tpu.memory_space<semaphore_mem>>
      %dma_start3A = arith.constant 0 : i32
      %dma_start3A_36 = tpu.memref_slice %arg8[%arg0, %arg1, %dma_start3A] : memref<2x16x10240xf32, #tpu.memory_space<hbm>> -> memref<1x1x10240xf32, #tpu.memory_space<hbm>>
      %dma_start3A_37 = tpu.memref_squeeze %dma_start3A_36 : memref<1x1x10240xf32, #tpu.memory_space<hbm>> -> memref<10240xf32, #tpu.memory_space<hbm>>
      %dma_start3A_38 = arith.constant 0 : i32
      %dma_start3A_39 = tpu.memref_slice %arg8[%arg0, %arg1, %dma_start3A_38] : memref<2x16x10240xf32, #tpu.memory_space<hbm>> -> memref<1x1x10240xf32, #tpu.memory_space<hbm>>
      %dma_start3A_40 = tpu.memref_squeeze %dma_start3A_39 : memref<1x1x10240xf32, #tpu.memory_space<hbm>> -> memref<10240xf32, #tpu.memory_space<hbm>>
      tpu.enqueue_dma source(%arg17 : memref<10240xf32, #tpu.memory_space<vmem>>) target(%dma_start3A_40 : memref<10240xf32, #tpu.memory_space<hbm>>) target_semaphore(%run_scoped3A : memref<!tpu.dma_semaphore, #tpu.memory_space<semaphore_mem>>)
      %dma_wait3A = arith.constant 0 : i32
      %dma_wait3A_41 = tpu.memref_slice %arg8[%arg0, %arg1, %dma_wait3A] : memref<2x16x10240xf32, #tpu.memory_space<hbm>> -> memref<1x1x10240xf32, #tpu.memory_space<hbm>>
      %dma_wait3A_42 = tpu.memref_squeeze %dma_wait3A_41 : memref<1x1x10240xf32, #tpu.memory_space<hbm>> -> memref<10240xf32, #tpu.memory_space<hbm>>
      %dma_wait3A_43 = arith.constant 0 : i32
      %dma_wait3A_44 = tpu.memref_slice %arg8[%arg0, %arg1, %dma_wait3A_43] : memref<2x16x10240xf32, #tpu.memory_space<hbm>> -> memref<1x1x10240xf32, #tpu.memory_space<hbm>>
      %dma_wait3A_45 = tpu.memref_squeeze %dma_wait3A_44 : memref<1x1x10240xf32, #tpu.memory_space<hbm>> -> memref<10240xf32, #tpu.memory_space<hbm>>
      tpu.wait_dma2 semaphore(%run_scoped3A : memref<!tpu.dma_semaphore, #tpu.memory_space<semaphore_mem>>) src(%arg17 : memref<10240xf32, #tpu.memory_space<vmem>>) dst(%dma_wait3A_45 : memref<10240xf32, #tpu.memory_space<hbm>>)
      tpu.yield
    }) : () -> ()
    return
  }
}

#map = affine_map<(d0, d1) -> (0, 0)>
#map1 = affine_map<(d0, d1) -> (0)>
#map2 = affine_map<(d0, d1) -> (0, 0, 0)>
module attributes {stable_mosaic.version = 14 : i64} {
  func.func @edge_body(%arg0: i32, %arg1: i32, %arg2: memref<10240x128xf32, #tpu.memory_space<hbm>>, %arg3: memref<10240xf32, #tpu.memory_space<hbm>>, %arg4: memref<10240xf32, #tpu.memory_space<hbm>>, %arg5: memref<331776xi32, #tpu.memory_space<hbm>>, %arg6: memref<331776xi32, #tpu.memory_space<hbm>>, %arg7: memref<2x10240x128xf32, #tpu.memory_space<hbm>>, %arg8: memref<10240xf32, #tpu.memory_space<vmem>>, %arg9: memref<10240xf32, #tpu.memory_space<vmem>>, %arg10: memref<128xi32, #tpu.memory_space<vmem>>, %arg11: memref<128xi32, #tpu.memory_space<vmem>>, %arg12: memref<128xf32, #tpu.memory_space<vmem>>, %arg13: memref<128x128xf32, #tpu.memory_space<vmem>>, %arg14: memref<10240x128xf32, #tpu.memory_space<vmem_shared>>, %arg15: memref<!tpu.dma_semaphore, #tpu.memory_space<semaphore_mem>>) attributes {dimension_semantics = [#tpu.dimension_semantics<core_parallel>, #tpu.dimension_semantics<subcore_parallel>], iteration_bounds = array<i64: 2, 16>, scalar_prefetch = 0 : i64, scratch_operands = 8 : i64, tpu.core_type = #tpu.core_type<sc_vector_subcore>, window_params = [{transform_indices = #map}, {transform_indices = #map1}, {transform_indices = #map1}, {transform_indices = #map1}, {transform_indices = #map1}, {transform_indices = #map2}]} {
    %mul3A = arith.constant 2 : i32
    %mul3A_0 = arith.muli %arg1, %mul3A : i32
    %add3A = arith.addi %mul3A_0, %arg0 : i32
    "tpu.region"() ({
      %run_scoped3A = tpu.sem_alloc : memref<!tpu.dma_semaphore, #tpu.memory_space<semaphore_mem>>
      tpu.enqueue_dma source(%arg3 : memref<10240xf32, #tpu.memory_space<hbm>>) target(%arg8 : memref<10240xf32, #tpu.memory_space<vmem>>) target_semaphore(%run_scoped3A : memref<!tpu.dma_semaphore, #tpu.memory_space<semaphore_mem>>)
      tpu.wait_dma2 semaphore(%run_scoped3A : memref<!tpu.dma_semaphore, #tpu.memory_space<semaphore_mem>>) src(%arg3 : memref<10240xf32, #tpu.memory_space<hbm>>) dst(%arg8 : memref<10240xf32, #tpu.memory_space<vmem>>)
      tpu.yield
    }) : () -> ()
    "tpu.region"() ({
      %run_scoped3A = tpu.sem_alloc : memref<!tpu.dma_semaphore, #tpu.memory_space<semaphore_mem>>
      tpu.enqueue_dma source(%arg4 : memref<10240xf32, #tpu.memory_space<hbm>>) target(%arg9 : memref<10240xf32, #tpu.memory_space<vmem>>) target_semaphore(%run_scoped3A : memref<!tpu.dma_semaphore, #tpu.memory_space<semaphore_mem>>)
      tpu.wait_dma2 semaphore(%run_scoped3A : memref<!tpu.dma_semaphore, #tpu.memory_space<semaphore_mem>>) src(%arg4 : memref<10240xf32, #tpu.memory_space<hbm>>) dst(%arg9 : memref<10240xf32, #tpu.memory_space<vmem>>)
      tpu.yield
    }) : () -> ()
    %broadcast_in_dim3A = arith.constant 0.000000e+00 : f32
    %broadcast_in_dim3A_1 = vector.broadcast %broadcast_in_dim3A : f32 to vector<16xf32>
    %iota3A = tpu.iota {dimensions = array<i32: 0>} : vector<16xi32>
    %scan3A = arith.constant 0 : i32
    %scan3A_2 = arith.constant 128 : i32
    %scan3A_3 = arith.addi %scan3A, %scan3A_2 : i32
    %scan3A_4 = arith.constant 1 : i32
    scf.for %scan3A_22 = %scan3A to %scan3A_3 step %scan3A_4  : i32 {
      %mul3A_23 = arith.constant 1 : i32
      %mul3A_24 = arith.muli %scan3A_22, %mul3A_23 : i32
      %add3A_25 = arith.constant 0 : i32
      %add3A_26 = arith.addi %add3A_25, %mul3A_24 : i32
      %swap3A = arith.index_cast %add3A_26 : i32 to index
      %swap3A_27 = arith.constant 0 : index
      %swap3A_28 = tpu.vector_load %arg13[%swap3A, %swap3A_27] {strides = array<i32>} : memref<128x128xf32, #tpu.memory_space<vmem>>, vector<16xf32>,
      tpu.vector_store %arg13[%swap3A, %swap3A_27], %broadcast_in_dim3A_1 {strides = array<i32>} : memref<128x128xf32, #tpu.memory_space<vmem>>, vector<16xf32>,
      %swap3A_29 = arith.index_cast %add3A_26 : i32 to index
      %swap3A_30 = arith.constant 16 : index
      %swap3A_31 = tpu.vector_load %arg13[%swap3A_29, %swap3A_30] {strides = array<i32>} : memref<128x128xf32, #tpu.memory_space<vmem>>, vector<16xf32>,
      tpu.vector_store %arg13[%swap3A_29, %swap3A_30], %broadcast_in_dim3A_1 {strides = array<i32>} : memref<128x128xf32, #tpu.memory_space<vmem>>, vector<16xf32>,
      %swap3A_32 = arith.index_cast %add3A_26 : i32 to index
      %swap3A_33 = arith.constant 32 : index
      %swap3A_34 = tpu.vector_load %arg13[%swap3A_32, %swap3A_33] {strides = array<i32>} : memref<128x128xf32, #tpu.memory_space<vmem>>, vector<16xf32>,
      tpu.vector_store %arg13[%swap3A_32, %swap3A_33], %broadcast_in_dim3A_1 {strides = array<i32>} : memref<128x128xf32, #tpu.memory_space<vmem>>, vector<16xf32>,
      %swap3A_35 = arith.index_cast %add3A_26 : i32 to index
      %swap3A_36 = arith.constant 48 : index
      %swap3A_37 = tpu.vector_load %arg13[%swap3A_35, %swap3A_36] {strides = array<i32>} : memref<128x128xf32, #tpu.memory_space<vmem>>, vector<16xf32>,
      tpu.vector_store %arg13[%swap3A_35, %swap3A_36], %broadcast_in_dim3A_1 {strides = array<i32>} : memref<128x128xf32, #tpu.memory_space<vmem>>, vector<16xf32>,
      %swap3A_38 = arith.index_cast %add3A_26 : i32 to index
      %swap3A_39 = arith.constant 64 : index
      %swap3A_40 = tpu.vector_load %arg13[%swap3A_38, %swap3A_39] {strides = array<i32>} : memref<128x128xf32, #tpu.memory_space<vmem>>, vector<16xf32>,
      tpu.vector_store %arg13[%swap3A_38, %swap3A_39], %broadcast_in_dim3A_1 {strides = array<i32>} : memref<128x128xf32, #tpu.memory_space<vmem>>, vector<16xf32>,
      %swap3A_41 = arith.index_cast %add3A_26 : i32 to index
      %swap3A_42 = arith.constant 80 : index
      %swap3A_43 = tpu.vector_load %arg13[%swap3A_41, %swap3A_42] {strides = array<i32>} : memref<128x128xf32, #tpu.memory_space<vmem>>, vector<16xf32>,
      tpu.vector_store %arg13[%swap3A_41, %swap3A_42], %broadcast_in_dim3A_1 {strides = array<i32>} : memref<128x128xf32, #tpu.memory_space<vmem>>, vector<16xf32>,
      %swap3A_44 = arith.index_cast %add3A_26 : i32 to index
      %swap3A_45 = arith.constant 96 : index
      %swap3A_46 = tpu.vector_load %arg13[%swap3A_44, %swap3A_45] {strides = array<i32>} : memref<128x128xf32, #tpu.memory_space<vmem>>, vector<16xf32>,
      tpu.vector_store %arg13[%swap3A_44, %swap3A_45], %broadcast_in_dim3A_1 {strides = array<i32>} : memref<128x128xf32, #tpu.memory_space<vmem>>, vector<16xf32>,
      %swap3A_47 = arith.index_cast %add3A_26 : i32 to index
      %swap3A_48 = arith.constant 112 : index
      %swap3A_49 = tpu.vector_load %arg13[%swap3A_47, %swap3A_48] {strides = array<i32>} : memref<128x128xf32, #tpu.memory_space<vmem>>, vector<16xf32>,
      tpu.vector_store %arg13[%swap3A_47, %swap3A_48], %broadcast_in_dim3A_1 {strides = array<i32>} : memref<128x128xf32, #tpu.memory_space<vmem>>, vector<16xf32>,
    }
    %scan3A_5 = arith.constant 128 : i32
    %scan3A_6 = arith.constant 0 : i32
    %scan3A_7 = arith.constant 5 : i32
    %scan3A_8 = arith.addi %scan3A_6, %scan3A_7 : i32
    %scan3A_9 = arith.constant 1 : i32
    scf.for %scan3A_22 = %scan3A_6 to %scan3A_8 step %scan3A_9  : i32 {
      %mul3A_23 = arith.constant 1 : i32
      %mul3A_24 = arith.muli %scan3A_22, %mul3A_23 : i32
      %add3A_25 = arith.constant 0 : i32
      %add3A_26 = arith.addi %add3A_25, %mul3A_24 : i32
      %mul3A_27 = arith.constant 640 : i32
      %mul3A_28 = arith.muli %arg1, %mul3A_27 : i32
      %mul3A_29 = arith.constant 128 : i32
      %mul3A_30 = arith.muli %add3A_26, %mul3A_29 : i32
      %add3A_31 = arith.addi %mul3A_28, %mul3A_30 : i32
      "tpu.region"() ({
        %run_scoped3A = tpu.sem_alloc : memref<!tpu.dma_semaphore, #tpu.memory_space<semaphore_mem>>
        %dma_start3A = arith.constant 0 : i32
        %dma_start3A_32 = tpu.memref_slice %arg14[%add3A_31, %dma_start3A] : memref<10240x128xf32, #tpu.memory_space<vmem_shared>> -> memref<128x128xf32, #tpu.memory_space<vmem_shared>>
        %dma_start3A_33 = arith.constant 0 : i32
        %dma_start3A_34 = tpu.memref_slice %arg14[%add3A_31, %dma_start3A_33] : memref<10240x128xf32, #tpu.memory_space<vmem_shared>> -> memref<128x128xf32, #tpu.memory_space<vmem_shared>>
        tpu.enqueue_dma source(%arg13 : memref<128x128xf32, #tpu.memory_space<vmem>>) target(%dma_start3A_34 : memref<128x128xf32, #tpu.memory_space<vmem_shared>>) target_semaphore(%run_scoped3A : memref<!tpu.dma_semaphore, #tpu.memory_space<semaphore_mem>>)
        %dma_wait3A = arith.constant 0 : i32
        %dma_wait3A_35 = tpu.memref_slice %arg14[%add3A_31, %dma_wait3A] : memref<10240x128xf32, #tpu.memory_space<vmem_shared>> -> memref<128x128xf32, #tpu.memory_space<vmem_shared>>
        %dma_wait3A_36 = arith.constant 0 : i32
        %dma_wait3A_37 = tpu.memref_slice %arg14[%add3A_31, %dma_wait3A_36] : memref<10240x128xf32, #tpu.memory_space<vmem_shared>> -> memref<128x128xf32, #tpu.memory_space<vmem_shared>>
        tpu.wait_dma2 semaphore(%run_scoped3A : memref<!tpu.dma_semaphore, #tpu.memory_space<semaphore_mem>>) src(%arg13 : memref<128x128xf32, #tpu.memory_space<vmem>>) dst(%dma_wait3A_37 : memref<128x128xf32, #tpu.memory_space<vmem_shared>>)
        tpu.yield
      }) : () -> ()
    }
    %scan3A_10 = arith.constant 5 : i32
    %barrier3A = arith.constant 0 : index
    tpu.barrier barrier_id(%barrier3A)
    %scan3A_11 = arith.constant 0 : i32
    %scan3A_12 = arith.constant 81 : i32
    %scan3A_13 = arith.addi %scan3A_11, %scan3A_12 : i32
    %scan3A_14 = arith.constant 1 : i32
    scf.for %scan3A_22 = %scan3A_11 to %scan3A_13 step %scan3A_14  : i32 {
      %mul3A_23 = arith.constant 1 : i32
      %mul3A_24 = arith.muli %scan3A_22, %mul3A_23 : i32
      %add3A_25 = arith.constant 0 : i32
      %add3A_26 = arith.addi %add3A_25, %mul3A_24 : i32
      %mul3A_27 = arith.constant 10368 : i32
      %mul3A_28 = arith.muli %add3A, %mul3A_27 : i32
      %mul3A_29 = arith.constant 128 : i32
      %mul3A_30 = arith.muli %add3A_26, %mul3A_29 : i32
      %add3A_31 = arith.addi %mul3A_28, %mul3A_30 : i32
      "tpu.region"() ({
        %run_scoped3A = tpu.sem_alloc : memref<!tpu.dma_semaphore, #tpu.memory_space<semaphore_mem>>
        %dma_start3A_46 = tpu.memref_slice %arg5[%add3A_31] : memref<331776xi32, #tpu.memory_space<hbm>> -> memref<128xi32, #tpu.memory_space<hbm>>
        %dma_start3A_47 = tpu.memref_slice %arg5[%add3A_31] : memref<331776xi32, #tpu.memory_space<hbm>> -> memref<128xi32, #tpu.memory_space<hbm>>
        tpu.enqueue_dma source(%dma_start3A_47 : memref<128xi32, #tpu.memory_space<hbm>>) target(%arg10 : memref<128xi32, #tpu.memory_space<vmem>>) target_semaphore(%run_scoped3A : memref<!tpu.dma_semaphore, #tpu.memory_space<semaphore_mem>>)
        %dma_wait3A_48 = tpu.memref_slice %arg5[%add3A_31] : memref<331776xi32, #tpu.memory_space<hbm>> -> memref<128xi32, #tpu.memory_space<hbm>>
        %dma_wait3A_49 = tpu.memref_slice %arg5[%add3A_31] : memref<331776xi32, #tpu.memory_space<hbm>> -> memref<128xi32, #tpu.memory_space<hbm>>
        tpu.wait_dma2 semaphore(%run_scoped3A : memref<!tpu.dma_semaphore, #tpu.memory_space<semaphore_mem>>) src(%dma_wait3A_49 : memref<128xi32, #tpu.memory_space<hbm>>) dst(%arg10 : memref<128xi32, #tpu.memory_space<vmem>>)
        tpu.yield
      }) : () -> ()
      "tpu.region"() ({
        %run_scoped3A = tpu.sem_alloc : memref<!tpu.dma_semaphore, #tpu.memory_space<semaphore_mem>>
        %dma_start3A_46 = tpu.memref_slice %arg6[%add3A_31] : memref<331776xi32, #tpu.memory_space<hbm>> -> memref<128xi32, #tpu.memory_space<hbm>>
        %dma_start3A_47 = tpu.memref_slice %arg6[%add3A_31] : memref<331776xi32, #tpu.memory_space<hbm>> -> memref<128xi32, #tpu.memory_space<hbm>>
        tpu.enqueue_dma source(%dma_start3A_47 : memref<128xi32, #tpu.memory_space<hbm>>) target(%arg11 : memref<128xi32, #tpu.memory_space<vmem>>) target_semaphore(%run_scoped3A : memref<!tpu.dma_semaphore, #tpu.memory_space<semaphore_mem>>)
        %dma_wait3A_48 = tpu.memref_slice %arg6[%add3A_31] : memref<331776xi32, #tpu.memory_space<hbm>> -> memref<128xi32, #tpu.memory_space<hbm>>
        %dma_wait3A_49 = tpu.memref_slice %arg6[%add3A_31] : memref<331776xi32, #tpu.memory_space<hbm>> -> memref<128xi32, #tpu.memory_space<hbm>>
        tpu.wait_dma2 semaphore(%run_scoped3A : memref<!tpu.dma_semaphore, #tpu.memory_space<semaphore_mem>>) src(%dma_wait3A_49 : memref<128xi32, #tpu.memory_space<hbm>>) dst(%arg11 : memref<128xi32, #tpu.memory_space<vmem>>)
        tpu.yield
      }) : () -> ()
      %dma_start3A = arith.constant 0 : i32
      %dma_start3A_32 = arith.constant 0 : i32
      %dma_start3A_33 = tpu.memref_slice %arg2[%dma_start3A, %dma_start3A_32] : memref<10240x128xf32, #tpu.memory_space<hbm>> -> memref<10240x128xf32, #tpu.memory_space<hbm>>
      tpu.enqueue_indirect_dma source(%dma_start3A_33 : memref<10240x128xf32, #tpu.memory_space<hbm>>) target(%arg13 : memref<128x128xf32, #tpu.memory_space<vmem>>) offsets(%arg10 : memref<128xi32, #tpu.memory_space<vmem>>) semaphore(%arg15 : memref<!tpu.dma_semaphore, #tpu.memory_space<semaphore_mem>>)
      %dma_wait3A = arith.constant 0 : i32
      %dma_wait3A_34 = arith.constant 0 : i32
      %dma_wait3A_35 = tpu.memref_slice %arg2[%dma_wait3A, %dma_wait3A_34] : memref<10240x128xf32, #tpu.memory_space<hbm>> -> memref<10240x128xf32, #tpu.memory_space<hbm>>
      tpu.wait_indirect_dma semaphore(%arg15 : memref<!tpu.dma_semaphore, #tpu.memory_space<semaphore_mem>>) src(%dma_wait3A_35 : memref<10240x128xf32, #tpu.memory_space<hbm>>) dst(%arg13 : memref<128x128xf32, #tpu.memory_space<vmem>>)
      %scan3A_36 = arith.constant 0 : i32
      %scan3A_37 = arith.constant 8 : i32
      %scan3A_38 = arith.addi %scan3A_36, %scan3A_37 : i32
      %scan3A_39 = arith.constant 1 : i32
      scf.for %scan3A_46 = %scan3A_36 to %scan3A_38 step %scan3A_39  : i32 {
        %mul3A_47 = arith.constant 1 : i32
        %mul3A_48 = arith.muli %scan3A_46, %mul3A_47 : i32
        %add3A_49 = arith.constant 0 : i32
        %add3A_50 = arith.addi %add3A_49, %mul3A_48 : i32
        %mul3A_51 = arith.constant 16 : i32
        %mul3A_52 = arith.muli %add3A_50, %mul3A_51 : i32
        %get3A = arith.index_cast %mul3A_52 : i32 to index
        %get3A_53 = tpu.vector_load %arg11[%get3A] {strides = array<i32>} : memref<128xi32, #tpu.memory_space<vmem>>, vector<16xi32>,
        %get3A_54 = arith.index_cast %mul3A_52 : i32 to index
        %get3A_55 = tpu.vector_load %arg10[%get3A_54] {strides = array<i32>} : memref<128xi32, #tpu.memory_space<vmem>>, vector<16xi32>,
        %gather3A = tpu.vector_load_idx %arg8[%get3A_55] : memref<10240xf32, #tpu.memory_space<vmem>>[vector<16xi32>], vector<16xf32>,
        %gather3A_56 = tpu.vector_load_idx %arg9[%get3A_53] : memref<10240xf32, #tpu.memory_space<vmem>>[vector<16xi32>], vector<16xf32>,
        %add3A_57 = arith.addf %gather3A, %gather3A_56 : vector<16xf32>
        %mul3A_58 = arith.constant 2.000000e-01 : f32
        %mul3A_59 = vector.broadcast %mul3A_58 : f32 to vector<16xf32>
        %mul3A_60 = arith.mulf %mul3A_59, %add3A_57 : vector<16xf32>
        %max3A = arith.maximumf %add3A_57, %mul3A_60 : vector<16xf32>
        %exp3A = math.exp %max3A : vector<16xf32>
        %swap3A = arith.index_cast %mul3A_52 : i32 to index
        %swap3A_61 = tpu.vector_load %arg12[%swap3A] {strides = array<i32>} : memref<128xf32, #tpu.memory_space<vmem>>, vector<16xf32>,
        tpu.vector_store %arg12[%swap3A], %exp3A {strides = array<i32>} : memref<128xf32, #tpu.memory_space<vmem>>, vector<16xf32>,
      }
      %scan3A_40 = arith.constant 8 : i32
      %scan3A_41 = arith.constant 0 : i32
      %scan3A_42 = arith.constant 128 : i32
      %scan3A_43 = arith.addi %scan3A_41, %scan3A_42 : i32
      %scan3A_44 = arith.constant 1 : i32
      scf.for %scan3A_46 = %scan3A_41 to %scan3A_43 step %scan3A_44  : i32 {
        %mul3A_47 = arith.constant 1 : i32
        %mul3A_48 = arith.muli %scan3A_46, %mul3A_47 : i32
        %add3A_49 = arith.constant 0 : i32
        %add3A_50 = arith.addi %add3A_49, %mul3A_48 : i32
        %broadcast_in_dim3A_51 = vector.broadcast %add3A_50 : i32 to vector<16xi32>
        %gather3A = tpu.vector_load_idx %arg12[%broadcast_in_dim3A_51] : memref<128xf32, #tpu.memory_space<vmem>>[vector<16xi32>], vector<16xf32>,
        %get3A = arith.index_cast %add3A_50 : i32 to index
        %get3A_52 = arith.constant 0 : index
        %get3A_53 = tpu.vector_load %arg13[%get3A, %get3A_52] {strides = array<i32>} : memref<128x128xf32, #tpu.memory_space<vmem>>, vector<16xf32>,
        %mul3A_54 = arith.mulf %get3A_53, %gather3A : vector<16xf32>
        %swap3A = arith.index_cast %add3A_50 : i32 to index
        %swap3A_55 = arith.constant 0 : index
        %swap3A_56 = tpu.vector_load %arg13[%swap3A, %swap3A_55] {strides = array<i32>} : memref<128x128xf32, #tpu.memory_space<vmem>>, vector<16xf32>,
        tpu.vector_store %arg13[%swap3A, %swap3A_55], %mul3A_54 {strides = array<i32>} : memref<128x128xf32, #tpu.memory_space<vmem>>, vector<16xf32>,
        %get3A_57 = arith.index_cast %add3A_50 : i32 to index
        %get3A_58 = arith.constant 16 : index
        %get3A_59 = tpu.vector_load %arg13[%get3A_57, %get3A_58] {strides = array<i32>} : memref<128x128xf32, #tpu.memory_space<vmem>>, vector<16xf32>,
        %mul3A_60 = arith.mulf %get3A_59, %gather3A : vector<16xf32>
        %swap3A_61 = arith.index_cast %add3A_50 : i32 to index
        %swap3A_62 = arith.constant 16 : index
        %swap3A_63 = tpu.vector_load %arg13[%swap3A_61, %swap3A_62] {strides = array<i32>} : memref<128x128xf32, #tpu.memory_space<vmem>>, vector<16xf32>,
        tpu.vector_store %arg13[%swap3A_61, %swap3A_62], %mul3A_60 {strides = array<i32>} : memref<128x128xf32, #tpu.memory_space<vmem>>, vector<16xf32>,
        %get3A_64 = arith.index_cast %add3A_50 : i32 to index
        %get3A_65 = arith.constant 32 : index
        %get3A_66 = tpu.vector_load %arg13[%get3A_64, %get3A_65] {strides = array<i32>} : memref<128x128xf32, #tpu.memory_space<vmem>>, vector<16xf32>,
        %mul3A_67 = arith.mulf %get3A_66, %gather3A : vector<16xf32>
        %swap3A_68 = arith.index_cast %add3A_50 : i32 to index
        %swap3A_69 = arith.constant 32 : index
        %swap3A_70 = tpu.vector_load %arg13[%swap3A_68, %swap3A_69] {strides = array<i32>} : memref<128x128xf32, #tpu.memory_space<vmem>>, vector<16xf32>,
        tpu.vector_store %arg13[%swap3A_68, %swap3A_69], %mul3A_67 {strides = array<i32>} : memref<128x128xf32, #tpu.memory_space<vmem>>, vector<16xf32>,
        %get3A_71 = arith.index_cast %add3A_50 : i32 to index
        %get3A_72 = arith.constant 48 : index
        %get3A_73 = tpu.vector_load %arg13[%get3A_71, %get3A_72] {strides = array<i32>} : memref<128x128xf32, #tpu.memory_space<vmem>>, vector<16xf32>,
        %mul3A_74 = arith.mulf %get3A_73, %gather3A : vector<16xf32>
        %swap3A_75 = arith.index_cast %add3A_50 : i32 to index
        %swap3A_76 = arith.constant 48 : index
        %swap3A_77 = tpu.vector_load %arg13[%swap3A_75, %swap3A_76] {strides = array<i32>} : memref<128x128xf32, #tpu.memory_space<vmem>>, vector<16xf32>,
        tpu.vector_store %arg13[%swap3A_75, %swap3A_76], %mul3A_74 {strides = array<i32>} : memref<128x128xf32, #tpu.memory_space<vmem>>, vector<16xf32>,
        %get3A_78 = arith.index_cast %add3A_50 : i32 to index
        %get3A_79 = arith.constant 64 : index
        %get3A_80 = tpu.vector_load %arg13[%get3A_78, %get3A_79] {strides = array<i32>} : memref<128x128xf32, #tpu.memory_space<vmem>>, vector<16xf32>,
        %mul3A_81 = arith.mulf %get3A_80, %gather3A : vector<16xf32>
        %swap3A_82 = arith.index_cast %add3A_50 : i32 to index
        %swap3A_83 = arith.constant 64 : index
        %swap3A_84 = tpu.vector_load %arg13[%swap3A_82, %swap3A_83] {strides = array<i32>} : memref<128x128xf32, #tpu.memory_space<vmem>>, vector<16xf32>,
        tpu.vector_store %arg13[%swap3A_82, %swap3A_83], %mul3A_81 {strides = array<i32>} : memref<128x128xf32, #tpu.memory_space<vmem>>, vector<16xf32>,
        %get3A_85 = arith.index_cast %add3A_50 : i32 to index
        %get3A_86 = arith.constant 80 : index
        %get3A_87 = tpu.vector_load %arg13[%get3A_85, %get3A_86] {strides = array<i32>} : memref<128x128xf32, #tpu.memory_space<vmem>>, vector<16xf32>,
        %mul3A_88 = arith.mulf %get3A_87, %gather3A : vector<16xf32>
        %swap3A_89 = arith.index_cast %add3A_50 : i32 to index
        %swap3A_90 = arith.constant 80 : index
        %swap3A_91 = tpu.vector_load %arg13[%swap3A_89, %swap3A_90] {strides = array<i32>} : memref<128x128xf32, #tpu.memory_space<vmem>>, vector<16xf32>,
        tpu.vector_store %arg13[%swap3A_89, %swap3A_90], %mul3A_88 {strides = array<i32>} : memref<128x128xf32, #tpu.memory_space<vmem>>, vector<16xf32>,
        %get3A_92 = arith.index_cast %add3A_50 : i32 to index
        %get3A_93 = arith.constant 96 : index
        %get3A_94 = tpu.vector_load %arg13[%get3A_92, %get3A_93] {strides = array<i32>} : memref<128x128xf32, #tpu.memory_space<vmem>>, vector<16xf32>,
        %mul3A_95 = arith.mulf %get3A_94, %gather3A : vector<16xf32>
        %swap3A_96 = arith.index_cast %add3A_50 : i32 to index
        %swap3A_97 = arith.constant 96 : index
        %swap3A_98 = tpu.vector_load %arg13[%swap3A_96, %swap3A_97] {strides = array<i32>} : memref<128x128xf32, #tpu.memory_space<vmem>>, vector<16xf32>,
        tpu.vector_store %arg13[%swap3A_96, %swap3A_97], %mul3A_95 {strides = array<i32>} : memref<128x128xf32, #tpu.memory_space<vmem>>, vector<16xf32>,
        %get3A_99 = arith.index_cast %add3A_50 : i32 to index
        %get3A_100 = arith.constant 112 : index
        %get3A_101 = tpu.vector_load %arg13[%get3A_99, %get3A_100] {strides = array<i32>} : memref<128x128xf32, #tpu.memory_space<vmem>>, vector<16xf32>,
        %mul3A_102 = arith.mulf %get3A_101, %gather3A : vector<16xf32>
        %swap3A_103 = arith.index_cast %add3A_50 : i32 to index
        %swap3A_104 = arith.constant 112 : index
        %swap3A_105 = tpu.vector_load %arg13[%swap3A_103, %swap3A_104] {strides = array<i32>} : memref<128x128xf32, #tpu.memory_space<vmem>>, vector<16xf32>,
        tpu.vector_store %arg13[%swap3A_103, %swap3A_104], %mul3A_102 {strides = array<i32>} : memref<128x128xf32, #tpu.memory_space<vmem>>, vector<16xf32>,
      }
      %scan3A_45 = arith.constant 128 : i32
      "tpu.region"() ({
        %run_scoped3A = tpu.sem_alloc : memref<!tpu.dma_semaphore, #tpu.memory_space<semaphore_mem>>
        %dma_start3A_46 = arith.constant 0 : i32
        %dma_start3A_47 = arith.constant 0 : i32
        %dma_start3A_48 = tpu.memref_slice %arg14[%dma_start3A_46, %dma_start3A_47] : memref<10240x128xf32, #tpu.memory_space<vmem_shared>> -> memref<10240x128xf32, #tpu.memory_space<vmem_shared>>
        tpu.enqueue_indirect_dma source(%arg13 : memref<128x128xf32, #tpu.memory_space<vmem>>) target(%dma_start3A_48 : memref<10240x128xf32, #tpu.memory_space<vmem_shared>>) offsets(%arg11 : memref<128xi32, #tpu.memory_space<vmem>>) semaphore(%run_scoped3A : memref<!tpu.dma_semaphore, #tpu.memory_space<semaphore_mem>>) {add = true}
        %dma_wait3A_49 = arith.constant 0 : i32
        %dma_wait3A_50 = arith.constant 0 : i32
        %dma_wait3A_51 = tpu.memref_slice %arg14[%dma_wait3A_49, %dma_wait3A_50] : memref<10240x128xf32, #tpu.memory_space<vmem_shared>> -> memref<10240x128xf32, #tpu.memory_space<vmem_shared>>
        tpu.wait_indirect_dma semaphore(%run_scoped3A : memref<!tpu.dma_semaphore, #tpu.memory_space<semaphore_mem>>) src(%arg13 : memref<128x128xf32, #tpu.memory_space<vmem>>) dst(%dma_wait3A_51 : memref<10240x128xf32, #tpu.memory_space<vmem_shared>>)
        tpu.yield
      }) : () -> ()
    }
    %scan3A_15 = arith.constant 81 : i32
    %barrier3A_16 = arith.constant 0 : index
    tpu.barrier barrier_id(%barrier3A_16)
    %scan3A_17 = arith.constant 0 : i32
    %scan3A_18 = arith.constant 5 : i32
    %scan3A_19 = arith.addi %scan3A_17, %scan3A_18 : i32
    %scan3A_20 = arith.constant 1 : i32
    scf.for %scan3A_22 = %scan3A_17 to %scan3A_19 step %scan3A_20  : i32 {
      %mul3A_23 = arith.constant 1 : i32
      %mul3A_24 = arith.muli %scan3A_22, %mul3A_23 : i32
      %add3A_25 = arith.constant 0 : i32
      %add3A_26 = arith.addi %add3A_25, %mul3A_24 : i32
      %mul3A_27 = arith.constant 640 : i32
      %mul3A_28 = arith.muli %arg1, %mul3A_27 : i32
      %mul3A_29 = arith.constant 128 : i32
      %mul3A_30 = arith.muli %add3A_26, %mul3A_29 : i32
      %add3A_31 = arith.addi %mul3A_28, %mul3A_30 : i32
      "tpu.region"() ({
        %run_scoped3A = tpu.sem_alloc : memref<!tpu.dma_semaphore, #tpu.memory_space<semaphore_mem>>
        %dma_start3A = arith.constant 0 : i32
        %dma_start3A_32 = tpu.memref_slice %arg7[%arg0, %add3A_31, %dma_start3A] : memref<2x10240x128xf32, #tpu.memory_space<hbm>> -> memref<1x128x128xf32, #tpu.memory_space<hbm>>
        %dma_start3A_33 = tpu.memref_squeeze %dma_start3A_32 : memref<1x128x128xf32, #tpu.memory_space<hbm>> -> memref<128x128xf32, #tpu.memory_space<hbm>>
        %dma_start3A_34 = arith.constant 0 : i32
        %dma_start3A_35 = tpu.memref_slice %arg14[%add3A_31, %dma_start3A_34] : memref<10240x128xf32, #tpu.memory_space<vmem_shared>> -> memref<128x128xf32, #tpu.memory_space<vmem_shared>>
        tpu.enqueue_dma source(%dma_start3A_35 : memref<128x128xf32, #tpu.memory_space<vmem_shared>>) target(%dma_start3A_33 : memref<128x128xf32, #tpu.memory_space<hbm>>) target_semaphore(%run_scoped3A : memref<!tpu.dma_semaphore, #tpu.memory_space<semaphore_mem>>)
        %dma_wait3A = arith.constant 0 : i32
        %dma_wait3A_36 = tpu.memref_slice %arg7[%arg0, %add3A_31, %dma_wait3A] : memref<2x10240x128xf32, #tpu.memory_space<hbm>> -> memref<1x128x128xf32, #tpu.memory_space<hbm>>
        %dma_wait3A_37 = tpu.memref_squeeze %dma_wait3A_36 : memref<1x128x128xf32, #tpu.memory_space<hbm>> -> memref<128x128xf32, #tpu.memory_space<hbm>>
        %dma_wait3A_38 = arith.constant 0 : i32
        %dma_wait3A_39 = tpu.memref_slice %arg14[%add3A_31, %dma_wait3A_38] : memref<10240x128xf32, #tpu.memory_space<vmem_shared>> -> memref<128x128xf32, #tpu.memory_space<vmem_shared>>
        tpu.wait_dma2 semaphore(%run_scoped3A : memref<!tpu.dma_semaphore, #tpu.memory_space<semaphore_mem>>) src(%dma_wait3A_39 : memref<128x128xf32, #tpu.memory_space<vmem_shared>>) dst(%dma_wait3A_37 : memref<128x128xf32, #tpu.memory_space<hbm>>)
        tpu.yield
      }) : () -> ()
    }
    %scan3A_21 = arith.constant 5 : i32
    return
  }
}

module attributes {stable_mosaic.version = 14 : i64} {
  func.func @_k1_body(%arg0: i32, %arg1: memref<128x128xf32, #tpu.memory_space<vmem>>, %arg2: memref<128x128xf32, #tpu.memory_space<vmem>>, %arg3: memref<128x1xf32, #tpu.memory_space<vmem>>, %arg4: memref<128x1xf32, #tpu.memory_space<vmem>>, %arg5: memref<1x128xf32, #tpu.memory_space<vmem>>, %arg6: memref<1x128xf32, #tpu.memory_space<vmem>>, %arg7: memref<128x128xf32, #tpu.memory_space<vmem>>, %arg8: memref<128x1xf32, #tpu.memory_space<vmem>>, %arg9: memref<128x1xf32, #tpu.memory_space<vmem>>, %arg10: memref<128x128xf32, #tpu.memory_space<vmem>>, %arg11: memref<128x1xf32, #tpu.memory_space<vmem>>) attributes {dimension_semantics = [#tpu.dimension_semantics<arbitrary>], iteration_bounds = array<i64: 80>, scalar_prefetch = 0 : i64, scratch_operands = 0 : i64, tpu.core_type = #tpu.core_type<tc>, window_params = [{transform_indices = @transform_0, window_bounds = array<i64: 128, 128>}, {pipeline_mode = #tpu.pipeline_mode<synchronous>, transform_indices = @transform_1, window_bounds = array<i64: 128, 128>}, {pipeline_mode = #tpu.pipeline_mode<synchronous>, transform_indices = @transform_2, window_bounds = array<i64: 128, 1>}, {pipeline_mode = #tpu.pipeline_mode<synchronous>, transform_indices = @transform_3, window_bounds = array<i64: 128, 1>}, {pipeline_mode = #tpu.pipeline_mode<synchronous>, transform_indices = @transform_4, window_bounds = array<i64: 1, 128>}, {pipeline_mode = #tpu.pipeline_mode<synchronous>, transform_indices = @transform_5, window_bounds = array<i64: 1, 128>}, {transform_indices = @transform_6, window_bounds = array<i64: 128, 128>}, {transform_indices = @transform_7, window_bounds = array<i64: 128, 1>}, {transform_indices = @transform_8, window_bounds = array<i64: 128, 1>}, {transform_indices = @transform_9, window_bounds = array<i64: 128, 128>}, {transform_indices = @transform_10, window_bounds = array<i64: 128, 1>}]} {
    %get3A = arith.constant 0 : index
    %get3A_0 = arith.constant 0 : index
    %get3A_1 = vector.load %arg1[%get3A, %get3A_0] : memref<128x128xf32, #tpu.memory_space<vmem>>, vector<128x128xf32>
    %get3A_2 = arith.constant 0 : index
    %get3A_3 = arith.constant 0 : index
    %get3A_4 = vector.load %arg2[%get3A_2, %get3A_3] : memref<128x128xf32, #tpu.memory_space<vmem>>, vector<128x128xf32>
    %dot_general3A = arith.constant dense<0.000000e+00> : vector<128x128xf32>
    %dot_general3A_5 = tpu.matmul %get3A_1, %get3A_4, %dot_general3A {dimension_numbers = #tpu.dot_dimension_numbers<[1], [0], [0], [1], [0, 0, 1, 1], [], []>, transpose_lhs_hint = false} : vector<128x128xf32>, vector<128x128xf32>, vector<128x128xf32> -> vector<128x128xf32>
    %get3A_6 = arith.constant 0 : index
    %get3A_7 = arith.constant 0 : index
    %get3A_8 = vector.load %arg3[%get3A_6, %get3A_7] : memref<128x1xf32, #tpu.memory_space<vmem>>, vector<128x1xf32>
    %dot_general3A_9 = arith.constant dense<0.000000e+00> : vector<128x1xf32>
    %dot_general3A_10 = tpu.matmul %dot_general3A_5, %get3A_8, %dot_general3A_9 {dimension_numbers = #tpu.dot_dimension_numbers<[1], [0], [0], [1], [0, 0, 1, 1], [], []>, transpose_lhs_hint = false} : vector<128x128xf32>, vector<128x1xf32>, vector<128x1xf32> -> vector<128x1xf32>
    %swap3A = arith.constant 0 : index
    %swap3A_11 = arith.constant 0 : index
    %swap3A_12 = vector.load %arg8[%swap3A, %swap3A_11] : memref<128x1xf32, #tpu.memory_space<vmem>>, vector<128x1xf32>
    tpu.vector_store %arg8[%swap3A, %swap3A_11], %dot_general3A_10 {strides = array<i32>} : memref<128x1xf32, #tpu.memory_space<vmem>>, vector<128x1xf32>,
    %get3A_13 = arith.constant 0 : index
    %get3A_14 = arith.constant 0 : index
    %get3A_15 = vector.load %arg4[%get3A_13, %get3A_14] : memref<128x1xf32, #tpu.memory_space<vmem>>, vector<128x1xf32>
    %dot_general3A_16 = arith.constant dense<0.000000e+00> : vector<128x1xf32>
    %dot_general3A_17 = tpu.matmul %dot_general3A_5, %get3A_15, %dot_general3A_16 {dimension_numbers = #tpu.dot_dimension_numbers<[1], [0], [0], [1], [0, 0, 1, 1], [], []>, transpose_lhs_hint = false} : vector<128x128xf32>, vector<128x1xf32>, vector<128x1xf32> -> vector<128x1xf32>
    %swap3A_18 = arith.constant 0 : index
    %swap3A_19 = arith.constant 0 : index
    %swap3A_20 = vector.load %arg9[%swap3A_18, %swap3A_19] : memref<128x1xf32, #tpu.memory_space<vmem>>, vector<128x1xf32>
    tpu.vector_store %arg9[%swap3A_18, %swap3A_19], %dot_general3A_17 {strides = array<i32>} : memref<128x1xf32, #tpu.memory_space<vmem>>, vector<128x1xf32>,
    %swap3A_21 = arith.constant 0 : index
    %swap3A_22 = arith.constant 0 : index
    %swap3A_23 = vector.load %arg7[%swap3A_21, %swap3A_22] : memref<128x128xf32, #tpu.memory_space<vmem>>, vector<128x128xf32>
    tpu.vector_store %arg7[%swap3A_21, %swap3A_22], %dot_general3A_5 {strides = array<i32>} : memref<128x128xf32, #tpu.memory_space<vmem>>, vector<128x128xf32>,
    %get3A_24 = arith.constant 0 : index
    %get3A_25 = arith.constant 0 : index
    %get3A_26 = vector.load %arg5[%get3A_24, %get3A_25] : memref<1x128xf32, #tpu.memory_space<vmem>>, vector<1x128xf32>
    %logistic3A = arith.negf %get3A_26 : vector<1x128xf32>
    %logistic3A_27 = math.exp %logistic3A : vector<1x128xf32>
    %logistic3A_28 = arith.constant 1.000000e+00 : f32
    %logistic3A_29 = vector.broadcast %logistic3A_28 : f32 to vector<1x128xf32>
    %logistic3A_30 = arith.addf %logistic3A_29, %logistic3A_27 : vector<1x128xf32>
    %logistic3A_31 = arith.divf %logistic3A_29, %logistic3A_30 : vector<1x128xf32>
    %add3A = arith.constant 2.22044605E-16 : f32
    %add3A_32 = vector.broadcast %add3A : f32 to vector<1x128xf32>
    %add3A_33 = arith.addf %logistic3A_31, %add3A_32 : vector<1x128xf32>
    %log3A = math.log %add3A_33 : vector<1x128xf32>
    %sub3A = arith.constant 1.000000e+00 : f32
    %sub3A_34 = vector.broadcast %sub3A : f32 to vector<1x128xf32>
    %sub3A_35 = arith.subf %sub3A_34, %logistic3A_31 : vector<1x128xf32>
    %add3A_36 = arith.constant 2.22044605E-16 : f32
    %add3A_37 = vector.broadcast %add3A_36 : f32 to vector<1x128xf32>
    %add3A_38 = arith.addf %sub3A_35, %add3A_37 : vector<1x128xf32>
    %log3A_39 = math.log %add3A_38 : vector<1x128xf32>
    %sub3A_40 = arith.subf %log3A, %log3A_39 : vector<1x128xf32>
    %div3A = arith.constant 1.000000e-01 : f32
    %div3A_41 = vector.broadcast %div3A : f32 to vector<1x128xf32>
    %div3A_42 = arith.divf %sub3A_40, %div3A_41 : vector<1x128xf32>
    %logistic3A_43 = arith.negf %div3A_42 : vector<1x128xf32>
    %logistic3A_44 = math.exp %logistic3A_43 : vector<1x128xf32>
    %logistic3A_45 = arith.constant 1.000000e+00 : f32
    %logistic3A_46 = vector.broadcast %logistic3A_45 : f32 to vector<1x128xf32>
    %logistic3A_47 = arith.addf %logistic3A_46, %logistic3A_44 : vector<1x128xf32>
    %logistic3A_48 = arith.divf %logistic3A_46, %logistic3A_47 : vector<1x128xf32>
    %sub3A_49 = arith.constant 1.000000e+00 : f32
    %sub3A_50 = vector.broadcast %sub3A_49 : f32 to vector<1x128xf32>
    %sub3A_51 = arith.subf %sub3A_50, %logistic3A_48 : vector<1x128xf32>
    %get3A_52 = arith.constant 0 : index
    %get3A_53 = arith.constant 0 : index
    %get3A_54 = vector.load %arg6[%get3A_52, %get3A_53] : memref<1x128xf32, #tpu.memory_space<vmem>>, vector<1x128xf32>
    %logistic3A_55 = arith.negf %get3A_54 : vector<1x128xf32>
    %logistic3A_56 = math.exp %logistic3A_55 : vector<1x128xf32>
    %logistic3A_57 = arith.constant 1.000000e+00 : f32
    %logistic3A_58 = vector.broadcast %logistic3A_57 : f32 to vector<1x128xf32>
    %logistic3A_59 = arith.addf %logistic3A_58, %logistic3A_56 : vector<1x128xf32>
    %logistic3A_60 = arith.divf %logistic3A_58, %logistic3A_59 : vector<1x128xf32>
    %mul3A = arith.mulf %sub3A_51, %logistic3A_60 : vector<1x128xf32>
    %mul3A_61 = vector.broadcast %mul3A : vector<1x128xf32> to vector<128x128xf32>
    %mul3A_62 = arith.mulf %get3A_1, %mul3A_61 : vector<128x128xf32>
    %swap3A_63 = arith.constant 0 : index
    %swap3A_64 = arith.constant 0 : index
    %swap3A_65 = vector.load %arg10[%swap3A_63, %swap3A_64] : memref<128x128xf32, #tpu.memory_space<vmem>>, vector<128x128xf32>
    tpu.vector_store %arg10[%swap3A_63, %swap3A_64], %mul3A_62 {strides = array<i32>} : memref<128x128xf32, #tpu.memory_space<vmem>>, vector<128x128xf32>,
    %reduce_sum3A = arith.constant dense<0.000000e+00> : vector<128xf32>
    %reduce_sum3A_66 = vector.multi_reduction <add>, %mul3A_62, %reduce_sum3A [1] : vector<128x128xf32> to vector<128xf32>
    %broadcast_in_dim3A = vector.shape_cast %reduce_sum3A_66 : vector<128xf32> to vector<128x1xf32>
    %swap3A_67 = arith.constant 0 : index
    %swap3A_68 = arith.constant 0 : index
    %swap3A_69 = vector.load %arg11[%swap3A_67, %swap3A_68] : memref<128x1xf32, #tpu.memory_space<vmem>>, vector<128x1xf32>
    tpu.vector_store %arg11[%swap3A_67, %swap3A_68], %broadcast_in_dim3A {strides = array<i32>} : memref<128x1xf32, #tpu.memory_space<vmem>>, vector<128x1xf32>,
    return
  }
  func.func @transform_0(%arg0: i32) -> (i32, i32) {
    %c0_i32 = arith.constant 0 : i32
    %c0_i32_0 = arith.constant 0 : i32
    return %arg0, %c0_i32 : i32, i32
  }
  func.func @transform_1(%arg0: i32) -> (i32, i32) {
    %c0_i32 = arith.constant 0 : i32
    %c0_i32_0 = arith.constant 0 : i32
    %c0_i32_1 = arith.constant 0 : i32
    return %c0_i32, %c0_i32_0 : i32, i32
  }
  func.func @transform_2(%arg0: i32) -> (i32, i32) {
    %c0_i32 = arith.constant 0 : i32
    %c0_i32_0 = arith.constant 0 : i32
    %c0_i32_1 = arith.constant 0 : i32
    return %c0_i32, %c0_i32_0 : i32, i32
  }
  func.func @transform_3(%arg0: i32) -> (i32, i32) {
    %c0_i32 = arith.constant 0 : i32
    %c0_i32_0 = arith.constant 0 : i32
    %c0_i32_1 = arith.constant 0 : i32
    return %c0_i32, %c0_i32_0 : i32, i32
  }
  func.func @transform_4(%arg0: i32) -> (i32, i32) {
    %c0_i32 = arith.constant 0 : i32
    %c0_i32_0 = arith.constant 0 : i32
    %c0_i32_1 = arith.constant 0 : i32
    return %c0_i32, %c0_i32_0 : i32, i32
  }
  func.func @transform_5(%arg0: i32) -> (i32, i32) {
    %c0_i32 = arith.constant 0 : i32
    %c0_i32_0 = arith.constant 0 : i32
    %c0_i32_1 = arith.constant 0 : i32
    return %c0_i32, %c0_i32_0 : i32, i32
  }
  func.func @transform_6(%arg0: i32) -> (i32, i32) {
    %c0_i32 = arith.constant 0 : i32
    %c0_i32_0 = arith.constant 0 : i32
    return %arg0, %c0_i32 : i32, i32
  }
  func.func @transform_7(%arg0: i32) -> (i32, i32) {
    %c0_i32 = arith.constant 0 : i32
    %c0_i32_0 = arith.constant 0 : i32
    return %arg0, %c0_i32 : i32, i32
  }
  func.func @transform_8(%arg0: i32) -> (i32, i32) {
    %c0_i32 = arith.constant 0 : i32
    %c0_i32_0 = arith.constant 0 : i32
    return %arg0, %c0_i32 : i32, i32
  }
  func.func @transform_9(%arg0: i32) -> (i32, i32) {
    %c0_i32 = arith.constant 0 : i32
    %c0_i32_0 = arith.constant 0 : i32
    return %arg0, %c0_i32 : i32, i32
  }
  func.func @transform_10(%arg0: i32) -> (i32, i32) {
    %c0_i32 = arith.constant 0 : i32
    %c0_i32_0 = arith.constant 0 : i32
    return %arg0, %c0_i32 : i32, i32
  }
}

module attributes {stable_mosaic.version = 14 : i64} {
  func.func @_k3_body(%arg0: i32, %arg1: memref<2x128x128xf32, #tpu.memory_space<vmem>>, %arg2: memref<2x16x128x1xf32, #tpu.memory_space<vmem>>, %arg3: memref<1x128xf32, #tpu.memory_space<vmem>>, %arg4: memref<1x128xf32, #tpu.memory_space<vmem>>, %arg5: memref<1x128xf32, #tpu.memory_space<vmem>>, %arg6: memref<1x128xf32, #tpu.memory_space<vmem>>, %arg7: memref<1x128xf32, #tpu.memory_space<vmem>>, %arg8: memref<128x8xf32, #tpu.memory_space<vmem>>, %arg9: memref<8x1xf32, #tpu.memory_space<vmem>>, %arg10: memref<8x1xf32, #tpu.memory_space<vmem>>, %arg11: memref<128x128xf32, #tpu.memory_space<vmem>>, %arg12: memref<128x1xf32, #tpu.memory_space<vmem>>, %arg13: memref<128x1xf32, #tpu.memory_space<vmem>>) attributes {dimension_semantics = [#tpu.dimension_semantics<arbitrary>], iteration_bounds = array<i64: 80>, scalar_prefetch = 0 : i64, scratch_operands = 0 : i64, tpu.core_type = #tpu.core_type<tc>, window_params = [{transform_indices = @transform_0, window_bounds = array<i64: 2, 128, 128>}, {transform_indices = @transform_1, window_bounds = array<i64: 2, 16, 128, 1>}, {pipeline_mode = #tpu.pipeline_mode<synchronous>, transform_indices = @transform_2, window_bounds = array<i64: 1, 128>}, {pipeline_mode = #tpu.pipeline_mode<synchronous>, transform_indices = @transform_3, window_bounds = array<i64: 1, 128>}, {pipeline_mode = #tpu.pipeline_mode<synchronous>, transform_indices = @transform_4, window_bounds = array<i64: 1, 128>}, {pipeline_mode = #tpu.pipeline_mode<synchronous>, transform_indices = @transform_5, window_bounds = array<i64: 1, 128>}, {pipeline_mode = #tpu.pipeline_mode<synchronous>, transform_indices = @transform_6, window_bounds = array<i64: 1, 128>}, {pipeline_mode = #tpu.pipeline_mode<synchronous>, transform_indices = @transform_7, window_bounds = array<i64: 128, 8>}, {pipeline_mode = #tpu.pipeline_mode<synchronous>, transform_indices = @transform_8, window_bounds = array<i64: 8, 1>}, {pipeline_mode = #tpu.pipeline_mode<synchronous>, transform_indices = @transform_9, window_bounds = array<i64: 8, 1>}, {transform_indices = @transform_10, window_bounds = array<i64: 128, 128>}, {transform_indices = @transform_11, window_bounds = array<i64: 128, 1>}, {transform_indices = @transform_12, window_bounds = array<i64: 128, 1>}]} {
    %get3A = arith.constant 0 : index
    %get3A_0 = arith.constant 0 : index
    %get3A_1 = arith.constant 0 : index
    %get3A_2 = vector.load %arg1[%get3A, %get3A_0, %get3A_1] : memref<2x128x128xf32, #tpu.memory_space<vmem>>, vector<1x128x128xf32>
    %get3A_3 = vector.shape_cast %get3A_2 : vector<1x128x128xf32> to vector<128x128xf32>
    %get3A_4 = arith.constant 1 : index
    %get3A_5 = arith.constant 0 : index
    %get3A_6 = arith.constant 0 : index
    %get3A_7 = vector.load %arg1[%get3A_4, %get3A_5, %get3A_6] : memref<2x128x128xf32, #tpu.memory_space<vmem>>, vector<1x128x128xf32>
    %get3A_8 = vector.shape_cast %get3A_7 : vector<1x128x128xf32> to vector<128x128xf32>
    %add3A = arith.addf %get3A_3, %get3A_8 : vector<128x128xf32>
    %get3A_9 = arith.constant 0 : index
    %get3A_10 = arith.constant 0 : index
    %get3A_11 = arith.constant 0 : index
    %get3A_12 = arith.constant 0 : index
    %get3A_13 = vector.load %arg2[%get3A_9, %get3A_10, %get3A_11, %get3A_12] : memref<2x16x128x1xf32, #tpu.memory_space<vmem>>, vector<2x16x128x1xf32>
    %reduce_sum3A = arith.constant dense<0.000000e+00> : vector<128x1xf32>
    %reduce_sum3A_14 = vector.multi_reduction <add>, %get3A_13, %reduce_sum3A [0, 1] : vector<2x16x128x1xf32> to vector<128x1xf32>
    %add3A_15 = arith.constant 1.000000e-16 : f32
    %add3A_16 = vector.broadcast %add3A_15 : f32 to vector<128x1xf32>
    %add3A_17 = arith.addf %reduce_sum3A_14, %add3A_16 : vector<128x1xf32>
    %div3A = vector.broadcast %add3A_17 : vector<128x1xf32> to vector<128x128xf32>
    %div3A_18 = arith.divf %add3A, %div3A : vector<128x128xf32>
    %get3A_19 = arith.constant 0 : index
    %get3A_20 = arith.constant 0 : index
    %get3A_21 = vector.load %arg3[%get3A_19, %get3A_20] : memref<1x128xf32, #tpu.memory_space<vmem>>, vector<1x128xf32>
    %add3A_22 = vector.broadcast %get3A_21 : vector<1x128xf32> to vector<128x128xf32>
    %add3A_23 = arith.addf %div3A_18, %add3A_22 : vector<128x128xf32>
    %get3A_24 = arith.constant 0 : index
    %get3A_25 = arith.constant 0 : index
    %get3A_26 = vector.load %arg6[%get3A_24, %get3A_25] : memref<1x128xf32, #tpu.memory_space<vmem>>, vector<1x128xf32>
    %sub3A = vector.broadcast %get3A_26 : vector<1x128xf32> to vector<128x128xf32>
    %sub3A_27 = arith.subf %add3A_23, %sub3A : vector<128x128xf32>
    %get3A_28 = arith.constant 0 : index
    %get3A_29 = arith.constant 0 : index
    %get3A_30 = vector.load %arg7[%get3A_28, %get3A_29] : memref<1x128xf32, #tpu.memory_space<vmem>>, vector<1x128xf32>
    %add3A_31 = arith.constant 9.99999974E-6 : f32
    %add3A_32 = vector.broadcast %add3A_31 : f32 to vector<1x128xf32>
    %add3A_33 = arith.addf %get3A_30, %add3A_32 : vector<1x128xf32>
    %sqrt3A = math.sqrt %add3A_33 : vector<1x128xf32>
    %div3A_34 = vector.broadcast %sqrt3A : vector<1x128xf32> to vector<128x128xf32>
    %div3A_35 = arith.divf %sub3A_27, %div3A_34 : vector<128x128xf32>
    %get3A_36 = arith.constant 0 : index
    %get3A_37 = arith.constant 0 : index
    %get3A_38 = vector.load %arg4[%get3A_36, %get3A_37] : memref<1x128xf32, #tpu.memory_space<vmem>>, vector<1x128xf32>
    %mul3A = vector.broadcast %get3A_38 : vector<1x128xf32> to vector<128x128xf32>
    %mul3A_39 = arith.mulf %div3A_35, %mul3A : vector<128x128xf32>
    %get3A_40 = arith.constant 0 : index
    %get3A_41 = arith.constant 0 : index
    %get3A_42 = vector.load %arg5[%get3A_40, %get3A_41] : memref<1x128xf32, #tpu.memory_space<vmem>>, vector<1x128xf32>
    %add3A_43 = vector.broadcast %get3A_42 : vector<1x128xf32> to vector<128x128xf32>
    %add3A_44 = arith.addf %mul3A_39, %add3A_43 : vector<128x128xf32>
    %mul3A_45 = arith.constant 0.00999999977 : f32
    %mul3A_46 = vector.broadcast %mul3A_45 : f32 to vector<128x128xf32>
    %mul3A_47 = arith.mulf %mul3A_46, %add3A_44 : vector<128x128xf32>
    %max3A = arith.maximumf %add3A_44, %mul3A_47 : vector<128x128xf32>
    %get3A_48 = arith.constant 0 : index
    %get3A_49 = arith.constant 0 : index
    %get3A_50 = vector.load %arg8[%get3A_48, %get3A_49] : memref<128x8xf32, #tpu.memory_space<vmem>>, vector<128x8xf32>
    %dot_general3A = arith.constant dense<0.000000e+00> : vector<128x8xf32>
    %dot_general3A_51 = tpu.matmul %max3A, %get3A_50, %dot_general3A {dimension_numbers = #tpu.dot_dimension_numbers<[1], [0], [0], [1], [0, 0, 1, 1], [], []>, transpose_lhs_hint = false} : vector<128x128xf32>, vector<128x8xf32>, vector<128x8xf32> -> vector<128x8xf32>
    %get3A_52 = arith.constant 0 : index
    %get3A_53 = arith.constant 0 : index
    %get3A_54 = vector.load %arg9[%get3A_52, %get3A_53] : memref<8x1xf32, #tpu.memory_space<vmem>>, vector<8x1xf32>
    %dot_general3A_55 = arith.constant dense<0.000000e+00> : vector<128x1xf32>
    %dot_general3A_56 = tpu.matmul %dot_general3A_51, %get3A_54, %dot_general3A_55 {dimension_numbers = #tpu.dot_dimension_numbers<[1], [0], [0], [1], [0, 0, 1, 1], [], []>, transpose_lhs_hint = false} : vector<128x8xf32>, vector<8x1xf32>, vector<128x1xf32> -> vector<128x1xf32>
    %swap3A = arith.constant 0 : index
    %swap3A_57 = arith.constant 0 : index
    %swap3A_58 = vector.load %arg12[%swap3A, %swap3A_57] : memref<128x1xf32, #tpu.memory_space<vmem>>, vector<128x1xf32>
    tpu.vector_store %arg12[%swap3A, %swap3A_57], %dot_general3A_56 {strides = array<i32>} : memref<128x1xf32, #tpu.memory_space<vmem>>, vector<128x1xf32>,
    %get3A_59 = arith.constant 0 : index
    %get3A_60 = arith.constant 0 : index
    %get3A_61 = vector.load %arg10[%get3A_59, %get3A_60] : memref<8x1xf32, #tpu.memory_space<vmem>>, vector<8x1xf32>
    %dot_general3A_62 = arith.constant dense<0.000000e+00> : vector<128x1xf32>
    %dot_general3A_63 = tpu.matmul %dot_general3A_51, %get3A_61, %dot_general3A_62 {dimension_numbers = #tpu.dot_dimension_numbers<[1], [0], [0], [1], [0, 0, 1, 1], [], []>, transpose_lhs_hint = false} : vector<128x8xf32>, vector<8x1xf32>, vector<128x1xf32> -> vector<128x1xf32>
    %swap3A_64 = arith.constant 0 : index
    %swap3A_65 = arith.constant 0 : index
    %swap3A_66 = vector.load %arg13[%swap3A_64, %swap3A_65] : memref<128x1xf32, #tpu.memory_space<vmem>>, vector<128x1xf32>
    tpu.vector_store %arg13[%swap3A_64, %swap3A_65], %dot_general3A_63 {strides = array<i32>} : memref<128x1xf32, #tpu.memory_space<vmem>>, vector<128x1xf32>,
    %mul3A_67 = arith.constant 128 : i32
    %mul3A_68 = arith.muli %arg0, %mul3A_67 : i32
    %iota3A = tpu.iota {dimensions = array<i32: 0>} : vector<128x1xi32>
    %add3A_69 = vector.broadcast %mul3A_68 : i32 to vector<128x1xi32>
    %add3A_70 = arith.addi %add3A_69, %iota3A : vector<128x1xi32>
    %lt3A = arith.constant 10000 : i32
    %lt3A_71 = vector.broadcast %lt3A : i32 to vector<128x1xi32>
    %lt3A_72 = arith.cmpi slt, %add3A_70, %lt3A_71 : vector<128x1xi32>
    %convert_element_type3A = arith.extui %lt3A_72 : vector<128x1xi1> to vector<128x1xi32>
    %convert_element_type3A_73 = arith.sitofp %convert_element_type3A : vector<128x1xi32> to vector<128x1xf32>
    %broadcast_in_dim3A = arith.constant 0.000000e+00 : f32
    %broadcast_in_dim3A_74 = vector.broadcast %broadcast_in_dim3A : f32 to vector<128x119xf32>
    %concatenate3A = tpu.concatenate %dot_general3A_51, %convert_element_type3A_73, %broadcast_in_dim3A_74 in 1 : vector<128x8xf32>, vector<128x1xf32>, vector<128x119xf32> -> vector<128x128xf32>
    %swap3A_75 = arith.constant 0 : index
    %swap3A_76 = arith.constant 0 : index
    %swap3A_77 = vector.load %arg11[%swap3A_75, %swap3A_76] : memref<128x128xf32, #tpu.memory_space<vmem>>, vector<128x128xf32>
    tpu.vector_store %arg11[%swap3A_75, %swap3A_76], %concatenate3A {strides = array<i32>} : memref<128x128xf32, #tpu.memory_space<vmem>>, vector<128x128xf32>,
    return
  }
  func.func @transform_0(%arg0: i32) -> (i32, i32, i32) {
    %c0_i32 = arith.constant 0 : i32
    %c0_i32_0 = arith.constant 0 : i32
    %c0_i32_1 = arith.constant 0 : i32
    return %c0_i32, %arg0, %c0_i32_0 : i32, i32, i32
  }
  func.func @transform_1(%arg0: i32) -> (i32, i32, i32, i32) {
    %c0_i32 = arith.constant 0 : i32
    %c0_i32_0 = arith.constant 0 : i32
    %c0_i32_1 = arith.constant 0 : i32
    %c0_i32_2 = arith.constant 0 : i32
    return %c0_i32, %c0_i32_0, %arg0, %c0_i32_1 : i32, i32, i32, i32
  }
  func.func @transform_2(%arg0: i32) -> (i32, i32) {
    %c0_i32 = arith.constant 0 : i32
    %c0_i32_0 = arith.constant 0 : i32
    %c0_i32_1 = arith.constant 0 : i32
    return %c0_i32, %c0_i32_0 : i32, i32
  }
  func.func @transform_3(%arg0: i32) -> (i32, i32) {
    %c0_i32 = arith.constant 0 : i32
    %c0_i32_0 = arith.constant 0 : i32
    %c0_i32_1 = arith.constant 0 : i32
    return %c0_i32, %c0_i32_0 : i32, i32
  }
  func.func @transform_4(%arg0: i32) -> (i32, i32) {
    %c0_i32 = arith.constant 0 : i32
    %c0_i32_0 = arith.constant 0 : i32
    %c0_i32_1 = arith.constant 0 : i32
    return %c0_i32, %c0_i32_0 : i32, i32
  }
  func.func @transform_5(%arg0: i32) -> (i32, i32) {
    %c0_i32 = arith.constant 0 : i32
    %c0_i32_0 = arith.constant 0 : i32
    %c0_i32_1 = arith.constant 0 : i32
    return %c0_i32, %c0_i32_0 : i32, i32
  }
  func.func @transform_6(%arg0: i32) -> (i32, i32) {
    %c0_i32 = arith.constant 0 : i32
    %c0_i32_0 = arith.constant 0 : i32
    %c0_i32_1 = arith.constant 0 : i32
    return %c0_i32, %c0_i32_0 : i32, i32
  }
  func.func @transform_7(%arg0: i32) -> (i32, i32) {
    %c0_i32 = arith.constant 0 : i32
    %c0_i32_0 = arith.constant 0 : i32
    %c0_i32_1 = arith.constant 0 : i32
    return %c0_i32, %c0_i32_0 : i32, i32
  }
  func.func @transform_8(%arg0: i32) -> (i32, i32) {
    %c0_i32 = arith.constant 0 : i32
    %c0_i32_0 = arith.constant 0 : i32
    %c0_i32_1 = arith.constant 0 : i32
    return %c0_i32, %c0_i32_0 : i32, i32
  }
  func.func @transform_9(%arg0: i32) -> (i32, i32) {
    %c0_i32 = arith.constant 0 : i32
    %c0_i32_0 = arith.constant 0 : i32
    %c0_i32_1 = arith.constant 0 : i32
    return %c0_i32, %c0_i32_0 : i32, i32
  }
  func.func @transform_10(%arg0: i32) -> (i32, i32) {
    %c0_i32 = arith.constant 0 : i32
    %c0_i32_0 = arith.constant 0 : i32
    return %arg0, %c0_i32 : i32, i32
  }
  func.func @transform_11(%arg0: i32) -> (i32, i32) {
    %c0_i32 = arith.constant 0 : i32
    %c0_i32_0 = arith.constant 0 : i32
    return %arg0, %c0_i32 : i32, i32
  }
  func.func @transform_12(%arg0: i32) -> (i32, i32) {
    %c0_i32 = arith.constant 0 : i32
    %c0_i32_0 = arith.constant 0 : i32
    return %arg0, %c0_i32 : i32, i32
  }
}

module attributes {stable_mosaic.version = 14 : i64} {
  func.func @_k5c_body(%arg0: i32, %arg1: i32, %arg2: memref<512x128xf32, #tpu.memory_space<vmem>>, %arg3: memref<1024x128xf32, #tpu.memory_space<vmem>>, %arg4: memref<1x1024xf32, #tpu.memory_space<vmem>>, %arg5: memref<512x1024xf32, #tpu.memory_space<vmem>>) attributes {dimension_semantics = [#tpu.dimension_semantics<arbitrary>, #tpu.dimension_semantics<arbitrary>], iteration_bounds = array<i64: 20, 10>, scalar_prefetch = 0 : i64, scratch_operands = 0 : i64, tpu.core_type = #tpu.core_type<tc>, window_params = [{transform_indices = @transform_0, window_bounds = array<i64: 512, 128>}, {transform_indices = @transform_1, window_bounds = array<i64: 1024, 128>}, {transform_indices = @transform_2, window_bounds = array<i64: 1, 1024>}, {transform_indices = @transform_3, window_bounds = array<i64: 512, 1024>}]} {
    %get3A = arith.constant 0 : index
    %get3A_0 = arith.constant 0 : index
    %get3A_1 = vector.load %arg2[%get3A, %get3A_0] : memref<512x128xf32, #tpu.memory_space<vmem>>, vector<512x128xf32>
    %get3A_2 = arith.constant 0 : index
    %get3A_3 = arith.constant 0 : index
    %get3A_4 = vector.load %arg3[%get3A_2, %get3A_3] : memref<1024x128xf32, #tpu.memory_space<vmem>>, vector<1024x128xf32>
    %dot_general3A = arith.constant dense<0.000000e+00> : vector<512x1024xf32>
    %dot_general3A_5 = tpu.matmul %get3A_1, %get3A_4, %dot_general3A {dimension_numbers = #tpu.dot_dimension_numbers<[1], [1], [0], [0], [0, 0, 1, 0], [], []>, transpose_lhs_hint = false} : vector<512x128xf32>, vector<1024x128xf32>, vector<512x1024xf32> -> vector<512x1024xf32>
    %get3A_6 = arith.constant 0 : index
    %get3A_7 = arith.constant 0 : index
    %get3A_8 = vector.load %arg4[%get3A_6, %get3A_7] : memref<1x1024xf32, #tpu.memory_space<vmem>>, vector<1x1024xf32>
    %add3A = arith.constant 9.99999997E-7 : f32
    %add3A_9 = vector.broadcast %add3A : f32 to vector<1x1024xf32>
    %add3A_10 = arith.addf %get3A_8, %add3A_9 : vector<1x1024xf32>
    %div3A = arith.constant 1.000000e+00 : f32
    %div3A_11 = vector.broadcast %div3A : f32 to vector<1x1024xf32>
    %div3A_12 = arith.divf %div3A_11, %add3A_10 : vector<1x1024xf32>
    %mul3A = vector.broadcast %div3A_12 : vector<1x1024xf32> to vector<512x1024xf32>
    %mul3A_13 = arith.mulf %dot_general3A_5, %mul3A : vector<512x1024xf32>
    %swap3A = arith.constant 0 : index
    %swap3A_14 = arith.constant 0 : index
    %swap3A_15 = vector.load %arg5[%swap3A, %swap3A_14] : memref<512x1024xf32, #tpu.memory_space<vmem>>, vector<512x1024xf32>
    tpu.vector_store %arg5[%swap3A, %swap3A_14], %mul3A_13 {strides = array<i32>} : memref<512x1024xf32, #tpu.memory_space<vmem>>, vector<512x1024xf32>,
    return
  }
  func.func @transform_0(%arg0: i32, %arg1: i32) -> (i32, i32) {
    %c0_i32 = arith.constant 0 : i32
    %c0_i32_0 = arith.constant 0 : i32
    return %arg0, %c0_i32 : i32, i32
  }
  func.func @transform_1(%arg0: i32, %arg1: i32) -> (i32, i32) {
    %c0_i32 = arith.constant 0 : i32
    %c0_i32_0 = arith.constant 0 : i32
    return %arg1, %c0_i32 : i32, i32
  }
  func.func @transform_2(%arg0: i32, %arg1: i32) -> (i32, i32) {
    %c0_i32 = arith.constant 0 : i32
    %c0_i32_0 = arith.constant 0 : i32
    return %c0_i32, %arg1 : i32, i32
  }
  func.func @transform_3(%arg0: i32, %arg1: i32) -> (i32, i32) {
    %c0_i32 = arith.constant 0 : i32
    return %arg0, %arg1 : i32, i32
  }
}

module attributes {stable_mosaic.version = 14 : i64} {
  func.func @_k5a_body(%arg0: i32, %arg1: memref<2x128x128xf32, #tpu.memory_space<vmem>>, %arg2: memref<1x8xf32, #tpu.memory_space<vmem>>, %arg3: memref<128x1xi32, #tpu.memory_space<vmem>>, %arg4: memref<128x1xf32, #tpu.memory_space<vmem>>, %arg5: memref<128x128xf32, #tpu.memory_space<vmem>>, %arg6: memref<128x1xf32, #tpu.memory_space<vmem>>, %arg7: memref<128x2xf32, #tpu.memory_space<vmem>>, %arg8: memref<1x2xf32, #tpu.memory_space<vmem>>) attributes {dimension_semantics = [#tpu.dimension_semantics<arbitrary>], iteration_bounds = array<i64: 79>, scalar_prefetch = 0 : i64, scratch_operands = 0 : i64, tpu.core_type = #tpu.core_type<tc>, window_params = [{transform_indices = @transform_0, window_bounds = array<i64: 2, 128, 128>}, {pipeline_mode = #tpu.pipeline_mode<synchronous>, transform_indices = @transform_1, window_bounds = array<i64: 1, 8>}, {transform_indices = @transform_2, window_bounds = array<i64: 128, 1>}, {transform_indices = @transform_3, window_bounds = array<i64: 128, 1>}, {transform_indices = @transform_4, window_bounds = array<i64: 128, 128>}, {transform_indices = @transform_5, window_bounds = array<i64: 128, 1>}, {pipeline_mode = #tpu.pipeline_mode<synchronous>, transform_indices = @transform_6, window_bounds = array<i64: 128, 2>}, {pipeline_mode = #tpu.pipeline_mode<synchronous>, transform_indices = @transform_7, window_bounds = array<i64: 1, 2>}]} {
    %get3A = arith.constant 0 : index
    %get3A_0 = arith.constant 0 : index
    %get3A_1 = arith.constant 0 : index
    %get3A_2 = vector.load %arg1[%get3A, %get3A_0, %get3A_1] : memref<2x128x128xf32, #tpu.memory_space<vmem>>, vector<1x128x128xf32>
    %get3A_3 = vector.shape_cast %get3A_2 : vector<1x128x128xf32> to vector<128x128xf32>
    %get3A_4 = arith.constant 1 : index
    %get3A_5 = arith.constant 0 : index
    %get3A_6 = arith.constant 0 : index
    %get3A_7 = vector.load %arg1[%get3A_4, %get3A_5, %get3A_6] : memref<2x128x128xf32, #tpu.memory_space<vmem>>, vector<1x128x128xf32>
    %get3A_8 = vector.shape_cast %get3A_7 : vector<1x128x128xf32> to vector<128x128xf32>
    %add3A = arith.addf %get3A_3, %get3A_8 : vector<128x128xf32>
    %slice3A = vector.extract_strided_slice %add3A {offsets = [0, 0], sizes = [128, 8], strides = [1, 1]} : vector<128x128xf32> to vector<128x8xf32>
    %slice3A_9 = vector.extract_strided_slice %add3A {offsets = [0, 8], sizes = [128, 1], strides = [1, 1]} : vector<128x128xf32> to vector<128x1xf32>
    %add3A_10 = arith.constant 1.000000e-16 : f32
    %add3A_11 = vector.broadcast %add3A_10 : f32 to vector<128x1xf32>
    %add3A_12 = arith.addf %slice3A_9, %add3A_11 : vector<128x1xf32>
    %div3A = vector.broadcast %add3A_12 : vector<128x1xf32> to vector<128x8xf32>
    %div3A_13 = arith.divf %slice3A, %div3A : vector<128x8xf32>
    %get3A_14 = arith.constant 0 : index
    %get3A_15 = arith.constant 0 : index
    %get3A_16 = vector.load %arg2[%get3A_14, %get3A_15] : memref<1x8xf32, #tpu.memory_space<vmem>>, vector<1x8xf32>
    %add3A_17 = vector.broadcast %get3A_16 : vector<1x8xf32> to vector<128x8xf32>
    %add3A_18 = arith.addf %div3A_13, %add3A_17 : vector<128x8xf32>
    %reduce_max3A = arith.constant dense<0xFF800000> : vector<128xf32>
    %reduce_max3A_19 = vector.multi_reduction <maximumf>, %add3A_18, %reduce_max3A [1] : vector<128x8xf32> to vector<128xf32>
    %broadcast_in_dim3A = vector.shape_cast %reduce_max3A_19 : vector<128xf32> to vector<128x1xf32>
    %sub3A = vector.broadcast %broadcast_in_dim3A : vector<128x1xf32> to vector<128x8xf32>
    %sub3A_20 = arith.subf %add3A_18, %sub3A : vector<128x8xf32>
    %exp3A = math.exp %sub3A_20 : vector<128x8xf32>
    %sub3A_21 = vector.broadcast %broadcast_in_dim3A : vector<128x1xf32> to vector<128x8xf32>
    %sub3A_22 = arith.subf %add3A_18, %sub3A_21 : vector<128x8xf32>
    %reduce_sum3A = arith.constant dense<0.000000e+00> : vector<128xf32>
    %reduce_sum3A_23 = vector.multi_reduction <add>, %exp3A, %reduce_sum3A [1] : vector<128x8xf32> to vector<128xf32>
    %broadcast_in_dim3A_24 = vector.shape_cast %reduce_sum3A_23 : vector<128xf32> to vector<128x1xf32>
    %log3A = math.log %broadcast_in_dim3A_24 : vector<128x1xf32>
    %sub3A_25 = vector.broadcast %log3A : vector<128x1xf32> to vector<128x8xf32>
    %sub3A_26 = arith.subf %sub3A_22, %sub3A_25 : vector<128x8xf32>
    %mul3A = arith.constant 128 : i32
    %mul3A_27 = arith.muli %arg0, %mul3A : i32
    %iota3A = tpu.iota {dimensions = array<i32: 0>} : vector<128x1xi32>
    %add3A_28 = vector.broadcast %mul3A_27 : i32 to vector<128x1xi32>
    %add3A_29 = arith.addi %add3A_28, %iota3A : vector<128x1xi32>
    %lt3A = arith.constant 10000 : i32
    %lt3A_30 = vector.broadcast %lt3A : i32 to vector<128x1xi32>
    %lt3A_31 = arith.cmpi slt, %add3A_29, %lt3A_30 : vector<128x1xi32>
    %convert_element_type3A = arith.extui %lt3A_31 : vector<128x1xi1> to vector<128x1xi32>
    %convert_element_type3A_32 = arith.sitofp %convert_element_type3A : vector<128x1xi32> to vector<128x1xf32>
    %slice3A_33 = vector.extract_strided_slice %sub3A_26 {offsets = [0, 1], sizes = [128, 1], strides = [1, 1]} : vector<128x8xf32> to vector<128x1xf32>
    %exp3A_34 = math.exp %slice3A_33 : vector<128x1xf32>
    %get3A_35 = arith.constant 0 : index
    %get3A_36 = arith.constant 0 : index
    %get3A_37 = vector.load %arg6[%get3A_35, %get3A_36] : memref<128x1xf32, #tpu.memory_space<vmem>>, vector<128x1xf32>
    %add3A_38 = arith.constant 9.99999997E-7 : f32
    %add3A_39 = vector.broadcast %add3A_38 : f32 to vector<128x1xf32>
    %add3A_40 = arith.addf %get3A_37, %add3A_39 : vector<128x1xf32>
    %div3A_41 = arith.divf %convert_element_type3A_32, %add3A_40 : vector<128x1xf32>
    %mul3A_42 = arith.mulf %exp3A_34, %div3A_41 : vector<128x1xf32>
    %sub3A_43 = arith.constant 1.000000e+00 : f32
    %sub3A_44 = vector.broadcast %sub3A_43 : f32 to vector<128x1xf32>
    %sub3A_45 = arith.subf %sub3A_44, %exp3A_34 : vector<128x1xf32>
    %mul3A_46 = arith.mulf %sub3A_45, %div3A_41 : vector<128x1xf32>
    %get3A_47 = arith.constant 0 : index
    %get3A_48 = arith.constant 0 : index
    %get3A_49 = vector.load %arg5[%get3A_47, %get3A_48] : memref<128x128xf32, #tpu.memory_space<vmem>>, vector<128x128xf32>
    %dot_general3A = arith.constant dense<0.000000e+00> : vector<128x1xf32>
    %dot_general3A_50 = tpu.matmul %get3A_49, %mul3A_46, %dot_general3A {dimension_numbers = #tpu.dot_dimension_numbers<[0], [0], [1], [1], [0, 1, 1, 1], [], []>, transpose_lhs_hint = false} : vector<128x128xf32>, vector<128x1xf32>, vector<128x1xf32> -> vector<128x1xf32>
    %dot_general3A_51 = arith.constant dense<0.000000e+00> : vector<128x1xf32>
    %dot_general3A_52 = tpu.matmul %get3A_49, %mul3A_42, %dot_general3A_51 {dimension_numbers = #tpu.dot_dimension_numbers<[0], [0], [1], [1], [0, 1, 1, 1], [], []>, transpose_lhs_hint = false} : vector<128x128xf32>, vector<128x1xf32>, vector<128x1xf32> -> vector<128x1xf32>
    %concatenate3A = tpu.concatenate %dot_general3A_50, %dot_general3A_52 in 1 : vector<128x1xf32>, vector<128x1xf32> -> vector<128x2xf32>
    %iota3A_53 = tpu.iota {dimensions = array<i32: 1>} : vector<128x8xi32>
    %get3A_54 = arith.constant 0 : index
    %get3A_55 = arith.constant 0 : index
    %get3A_56 = vector.load %arg3[%get3A_54, %get3A_55] : memref<128x1xi32, #tpu.memory_space<vmem>>, vector<128x1xi32>
    %eq3A = vector.broadcast %get3A_56 : vector<128x1xi32> to vector<128x8xi32>
    %eq3A_57 = arith.cmpi eq, %iota3A_53, %eq3A : vector<128x8xi32>
    %convert_element_type3A_58 = arith.extui %eq3A_57 : vector<128x8xi1> to vector<128x8xi32>
    %convert_element_type3A_59 = arith.sitofp %convert_element_type3A_58 : vector<128x8xi32> to vector<128x8xf32>
    %mul3A_60 = arith.mulf %sub3A_26, %convert_element_type3A_59 : vector<128x8xf32>
    %reduce_sum3A_61 = arith.constant dense<0.000000e+00> : vector<128xf32>
    %reduce_sum3A_62 = vector.multi_reduction <add>, %mul3A_60, %reduce_sum3A_61 [1] : vector<128x8xf32> to vector<128xf32>
    %broadcast_in_dim3A_63 = vector.shape_cast %reduce_sum3A_62 : vector<128xf32> to vector<128x1xf32>
    %get3A_64 = arith.constant 0 : index
    %get3A_65 = arith.constant 0 : index
    %get3A_66 = vector.load %arg4[%get3A_64, %get3A_65] : memref<128x1xf32, #tpu.memory_space<vmem>>, vector<128x1xf32>
    %mul3A_67 = arith.mulf %get3A_66, %convert_element_type3A_32 : vector<128x1xf32>
    %mul3A_68 = arith.mulf %broadcast_in_dim3A_63, %mul3A_67 : vector<128x1xf32>
    %reduce_sum3A_69 = vector.shape_cast %mul3A_68 : vector<128x1xf32> to vector<1x128x1xf32>
    %reduce_sum3A_70 = arith.constant dense<0.000000e+00> : vector<1xf32>
    %reduce_sum3A_71 = vector.multi_reduction <add>, %reduce_sum3A_69, %reduce_sum3A_70 [1, 2] : vector<1x128x1xf32> to vector<1xf32>
    %reduce_sum3A_72 = vector.shape_cast %reduce_sum3A_71 : vector<1xf32> to vector<1x1x1xf32>
    %reduce_sum3A_73 = vector.extract %reduce_sum3A_72[0, 0, 0] : f32 from vector<1x1x1xf32>
    %reshape3A = vector.broadcast %reduce_sum3A_73 : f32 to vector<1x1xf32>
    %reduce_sum3A_74 = vector.shape_cast %mul3A_67 : vector<128x1xf32> to vector<1x128x1xf32>
    %reduce_sum3A_75 = arith.constant dense<0.000000e+00> : vector<1xf32>
    %reduce_sum3A_76 = vector.multi_reduction <add>, %reduce_sum3A_74, %reduce_sum3A_75 [1, 2] : vector<1x128x1xf32> to vector<1xf32>
    %reduce_sum3A_77 = vector.shape_cast %reduce_sum3A_76 : vector<1xf32> to vector<1x1x1xf32>
    %reduce_sum3A_78 = vector.extract %reduce_sum3A_77[0, 0, 0] : f32 from vector<1x1x1xf32>
    %reshape3A_79 = vector.broadcast %reduce_sum3A_78 : f32 to vector<1x1xf32>
    %concatenate3A_80 = tpu.concatenate %reshape3A, %reshape3A_79 in 1 : vector<1x1xf32>, vector<1x1xf32> -> vector<1x2xf32>
    %eq3A_81 = arith.constant 0 : i32
    %eq3A_82 = arith.cmpi eq, %arg0, %eq3A_81 : i32
    %convert_element_type3A_83 = arith.extui %eq3A_82 : i1 to i32
    %cond3A = arith.constant 0 : i32
    %cond3A_84 = arith.cmpi ne, %convert_element_type3A_83, %cond3A : i32
    scf.if %cond3A_84 {
      %swap3A = arith.constant 0 : index
      %swap3A_89 = arith.constant 0 : index
      %swap3A_90 = vector.load %arg7[%swap3A, %swap3A_89] : memref<128x2xf32, #tpu.memory_space<vmem>>, vector<128x2xf32>
      tpu.vector_store %arg7[%swap3A, %swap3A_89], %concatenate3A {strides = array<i32>} : memref<128x2xf32, #tpu.memory_space<vmem>>, vector<128x2xf32>,
      %swap3A_91 = arith.constant 0 : index
      %swap3A_92 = arith.constant 0 : index
      %swap3A_93 = vector.load %arg8[%swap3A_91, %swap3A_92] : memref<1x2xf32, #tpu.memory_space<vmem>>, vector<1x2xf32>
      tpu.vector_store %arg8[%swap3A_91, %swap3A_92], %concatenate3A_80 {strides = array<i32>} : memref<1x2xf32, #tpu.memory_space<vmem>>, vector<1x2xf32>,
    } else {
    }
    %gt3A = arith.constant 0 : i32
    %gt3A_85 = arith.cmpi sgt, %arg0, %gt3A : i32
    %convert_element_type3A_86 = arith.extui %gt3A_85 : i1 to i32
    %cond3A_87 = arith.constant 0 : i32
    %cond3A_88 = arith.cmpi ne, %convert_element_type3A_86, %cond3A_87 : i32
    scf.if %cond3A_88 {
      %get3A_89 = arith.constant 0 : index
      %get3A_90 = arith.constant 0 : index
      %get3A_91 = vector.load %arg7[%get3A_89, %get3A_90] : memref<128x2xf32, #tpu.memory_space<vmem>>, vector<128x2xf32>
      %add3A_92 = arith.addf %get3A_91, %concatenate3A : vector<128x2xf32>
      %swap3A = arith.constant 0 : index
      %swap3A_93 = arith.constant 0 : index
      %swap3A_94 = vector.load %arg7[%swap3A, %swap3A_93] : memref<128x2xf32, #tpu.memory_space<vmem>>, vector<128x2xf32>
      tpu.vector_store %arg7[%swap3A, %swap3A_93], %add3A_92 {strides = array<i32>} : memref<128x2xf32, #tpu.memory_space<vmem>>, vector<128x2xf32>,
      %get3A_95 = arith.constant 0 : index
      %get3A_96 = arith.constant 0 : index
      %get3A_97 = vector.load %arg8[%get3A_95, %get3A_96] : memref<1x2xf32, #tpu.memory_space<vmem>>, vector<1x2xf32>
      %add3A_98 = arith.addf %get3A_97, %concatenate3A_80 : vector<1x2xf32>
      %swap3A_99 = arith.constant 0 : index
      %swap3A_100 = arith.constant 0 : index
      %swap3A_101 = vector.load %arg8[%swap3A_99, %swap3A_100] : memref<1x2xf32, #tpu.memory_space<vmem>>, vector<1x2xf32>
      tpu.vector_store %arg8[%swap3A_99, %swap3A_100], %add3A_98 {strides = array<i32>} : memref<1x2xf32, #tpu.memory_space<vmem>>, vector<1x2xf32>,
    } else {
    }
    return
  }
  func.func @transform_0(%arg0: i32) -> (i32, i32, i32) {
    %c0_i32 = arith.constant 0 : i32
    %c0_i32_0 = arith.constant 0 : i32
    %c0_i32_1 = arith.constant 0 : i32
    return %c0_i32, %arg0, %c0_i32_0 : i32, i32, i32
  }
  func.func @transform_1(%arg0: i32) -> (i32, i32) {
    %c0_i32 = arith.constant 0 : i32
    %c0_i32_0 = arith.constant 0 : i32
    %c0_i32_1 = arith.constant 0 : i32
    return %c0_i32, %c0_i32_0 : i32, i32
  }
  func.func @transform_2(%arg0: i32) -> (i32, i32) {
    %c0_i32 = arith.constant 0 : i32
    %c0_i32_0 = arith.constant 0 : i32
    return %arg0, %c0_i32 : i32, i32
  }
  func.func @transform_3(%arg0: i32) -> (i32, i32) {
    %c0_i32 = arith.constant 0 : i32
    %c0_i32_0 = arith.constant 0 : i32
    return %arg0, %c0_i32 : i32, i32
  }
  func.func @transform_4(%arg0: i32) -> (i32, i32) {
    %c0_i32 = arith.constant 0 : i32
    %c0_i32_0 = arith.constant 0 : i32
    return %arg0, %c0_i32 : i32, i32
  }
  func.func @transform_5(%arg0: i32) -> (i32, i32) {
    %c0_i32 = arith.constant 0 : i32
    %c0_i32_0 = arith.constant 0 : i32
    return %arg0, %c0_i32 : i32, i32
  }
  func.func @transform_6(%arg0: i32) -> (i32, i32) {
    %c0_i32 = arith.constant 0 : i32
    %c0_i32_0 = arith.constant 0 : i32
    %c0_i32_1 = arith.constant 0 : i32
    return %c0_i32, %c0_i32_0 : i32, i32
  }
  func.func @transform_7(%arg0: i32) -> (i32, i32) {
    %c0_i32 = arith.constant 0 : i32
    %c0_i32_0 = arith.constant 0 : i32
    %c0_i32_1 = arith.constant 0 : i32
    return %c0_i32, %c0_i32_0 : i32, i32
  }
}

module attributes {stable_mosaic.version = 14 : i64} {
  func.func @_k5b_body(%arg0: i32, %arg1: memref<128x128xf32, #tpu.memory_space<vmem>>, %arg2: memref<128x2xf32, #tpu.memory_space<vmem>>, %arg3: memref<128x2xf32, #tpu.memory_space<vmem>>) attributes {dimension_semantics = [#tpu.dimension_semantics<arbitrary>], iteration_bounds = array<i64: 79>, scalar_prefetch = 0 : i64, scratch_operands = 0 : i64, tpu.core_type = #tpu.core_type<tc>, window_params = [{transform_indices = @transform_0, window_bounds = array<i64: 128, 128>}, {pipeline_mode = #tpu.pipeline_mode<synchronous>, transform_indices = @transform_1, window_bounds = array<i64: 128, 2>}, {transform_indices = @transform_2, window_bounds = array<i64: 128, 2>}]} {
    %get3A = arith.constant 0 : index
    %get3A_0 = arith.constant 0 : index
    %get3A_1 = vector.load %arg1[%get3A, %get3A_0] : memref<128x128xf32, #tpu.memory_space<vmem>>, vector<128x128xf32>
    %get3A_2 = arith.constant 0 : index
    %get3A_3 = arith.constant 0 : index
    %get3A_4 = vector.load %arg2[%get3A_2, %get3A_3] : memref<128x2xf32, #tpu.memory_space<vmem>>, vector<128x2xf32>
    %dot_general3A = arith.constant dense<0.000000e+00> : vector<128x2xf32>
    %dot_general3A_5 = tpu.matmul %get3A_1, %get3A_4, %dot_general3A {dimension_numbers = #tpu.dot_dimension_numbers<[1], [0], [0], [1], [0, 0, 1, 1], [], []>, transpose_lhs_hint = false} : vector<128x128xf32>, vector<128x2xf32>, vector<128x2xf32> -> vector<128x2xf32>
    %reduce_max3A = arith.constant dense<0xFF800000> : vector<128xf32>
    %reduce_max3A_6 = vector.multi_reduction <maximumf>, %dot_general3A_5, %reduce_max3A [1] : vector<128x2xf32> to vector<128xf32>
    %broadcast_in_dim3A = vector.shape_cast %reduce_max3A_6 : vector<128xf32> to vector<128x1xf32>
    %sub3A = vector.broadcast %broadcast_in_dim3A : vector<128x1xf32> to vector<128x2xf32>
    %sub3A_7 = arith.subf %dot_general3A_5, %sub3A : vector<128x2xf32>
    %exp3A = math.exp %sub3A_7 : vector<128x2xf32>
    %reduce_sum3A = arith.constant dense<0.000000e+00> : vector<128xf32>
    %reduce_sum3A_8 = vector.multi_reduction <add>, %exp3A, %reduce_sum3A [1] : vector<128x2xf32> to vector<128xf32>
    %broadcast_in_dim3A_9 = vector.shape_cast %reduce_sum3A_8 : vector<128xf32> to vector<128x1xf32>
    %div3A = vector.broadcast %broadcast_in_dim3A_9 : vector<128x1xf32> to vector<128x2xf32>
    %div3A_10 = arith.divf %exp3A, %div3A : vector<128x2xf32>
    %swap3A = arith.constant 0 : index
    %swap3A_11 = arith.constant 0 : index
    %swap3A_12 = vector.load %arg3[%swap3A, %swap3A_11] : memref<128x2xf32, #tpu.memory_space<vmem>>, vector<128x2xf32>
    tpu.vector_store %arg3[%swap3A, %swap3A_11], %div3A_10 {strides = array<i32>} : memref<128x2xf32, #tpu.memory_space<vmem>>, vector<128x2xf32>,
    return
  }
  func.func @transform_0(%arg0: i32) -> (i32, i32) {
    %c0_i32 = arith.constant 0 : i32
    %c0_i32_0 = arith.constant 0 : i32
    return %arg0, %c0_i32 : i32, i32
  }
  func.func @transform_1(%arg0: i32) -> (i32, i32) {
    %c0_i32 = arith.constant 0 : i32
    %c0_i32_0 = arith.constant 0 : i32
    %c0_i32_1 = arith.constant 0 : i32
    return %c0_i32, %c0_i32_0 : i32, i32
  }
  func.func @transform_2(%arg0: i32) -> (i32, i32) {
    %c0_i32 = arith.constant 0 : i32
    %c0_i32_0 = arith.constant 0 : i32
    return %arg0, %c0_i32 : i32, i32
  }
}

</mosaic_0001>

<sc_bundles>
// kernel: kernel.12.cloned.1.call-start
scs
__scs_entry_jumppad:
0x0: {  	(pc) =	sbr.rel $0x88, $3  }
0x1: {  	(tag) =	ssettag $0x0;
	lr =	simm.s32 $0x1  }
0x2: {  	[smem:$0x3F8F] =	sst lr;
	_ =	strace $0xD0000000  }
0x3: {  	_ = 	snop  }
0x4: {  	_ = 	snop  }
0x5: {  	_ = 	snop  }
0x6: {  	_ = 	snop  }
0x7: {  	_ = 	snop  }
__scs_overlays_trampoline_lowered:
0x8: {  	[smem:$0x3F9E] =	sst s0  }
0x9: {  	[smem:$0x3F9F] =	sst s1  }
0xa: {  	[smem:$0x3FA0] =	sst s2  }
0xb: {  	[smem:$0x3FA1] =	sst s3  }
0xc: {  	[smem:$0x3FA2] =	sst s4  }
0xd: {  	[smem:$0x3FA3] =	sst s5  }
0xe: {  	[smem:$0x3FA4] =	sst s6  }
0xf: {  	[smem:$0x3FA5] =	sst s7  }
0x10: {  	[smem:$0x3FA6] =	sst s8  }
0x11: {  	[smem:$0x3FA7] =	sst s9;
	s0 =	simm.s32 @!p0 $0x0  }
0x12: {  	s1 =	sld [smem:$0x3F8D];
	s0 =	simm.s32 @p0 $0x1  }
0x13: {  	[smem:$0x3FA8] =	sst s0;
	s0 =	simm.s32 @!p1 $0x0  }
0x14: {  	s2 =	sld [smem:$0x3F8C];
	s0 =	simm.s32 @p1 $0x1  }
0x15: {  	[smem:$0x3FA9] =	sst s0;
	s0 =	simm.s32 @!p2 $0x0  }
0x16: {  	s3 =	sld [smem:$0x3FDB];
	s0 =	simm.s32 @p2 $0x1  }
0x17: {  	s4 =	simm.s32 $0x1BF5;
	[smem:$0x3FAB] =	sst s0  }
0x18: {  	s0 =	sld [smem:$0x3F8E];
	_ =	swait.ge [sflag:s4], $0x0  }
0x19: {  	s7 =	sld [smem:$0x3F8F]  }
0x1a: {  	s8 =	sadd.s32 $0xFFFFE003, lr  }
0x1b: {  	s9 =	sadd.s32 $0xFFFFFEF7, lr;
	s5 =	simm.s32 $0xFFFFFFFF;
	p2 =	slt.u32 s8, $0xFFFFF086  }
0x1c: {  	p1 =	slt.u32 s9, $0xF7A;
	s5 =	simm.s32 @!p2 $0x0  }
0x1d: {  	s5 =	simm.s32 @p1 $0x1;
	p0 =	seq.s32 s7, s2  }
0x1e: {  	s7 =	smul.u32 @!p0 $0xF7A, s2;
	p2 =	seq.s32 @!p0 s5, $0x0  }
0x1f: {  	s9 =	smul.u32 $0xF7A, s1;
	s8 =	simm.s32 @!p0 $0x1BF5;
	p2 =	por !p2, p0  }
0x20: {  	[sflag:s8] =	ssyncset.s32 @!p0 $0xFFFFF086;
	s6 =	sadd.s32 @!p0 s3, s7;
	s7 =	simm.s32 @!p0 $0x108  }
0x21: {  	s3 =	sadd.s32 s3, s9;
	s6 =	sadd.s32 @!p0 $0x88, s6;
	s7 =	simm.s32 @p2 $0x1082  }
0x22: {  	[simem:s7], [sflag:s8] =	dma.local @!p0 [hbm:s6], $0xF7A  }
0x23: {  	s9 =	sor.u32 $0xD0000000, s2;
	s6 =	simm.s32 $0x108;
	_ =	swait.ge @!p0 [sflag:s8], $0x0  }
0x24: {  	s3 =	sadd.s32 $0x88, s3;
	s6 =	simm.s32 @!p1 $0x1082;
	[sflag:s4] =	ssyncset.s32 $0xFFFFF086  }
0x25: {  	[simem:s6], [sflag:s4] =	dma.local [hbm:s3], $0xF7A  }
0x26: {  	[smem:$0x3F8F] =	sst s1;
	(tag) =	ssettag s2;
	_ =	strace s9  }
0x27: {  	s1 =	sld [smem:$0x3F9F]  }
0x28: {  	s2 =	sld [smem:$0x3FA0]  }
0x29: {  	s4 =	sld [smem:$0x3FA2]  }
0x2a: {  	p0 =	seq.s32 s5, $0x0;
	s5 =	sld [smem:$0x3FA3]  }
0x2b: {  	s6 =	sld [smem:$0x3FA4]  }
0x2c: {  	s7 =	sld [smem:$0x3FA5]  }
0x2d: {  	s3 =	simm.s32 $0x108;
	s8 =	sld [smem:$0x3FA6]  }
0x2e: {  	s3 =	simm.s32 @!p0 $0x1082;
	s9 =	sld [smem:$0x3FA7]  }
0x2f: {  	lr =	sadd.s32 s0, s3;
	s0 =	sld [smem:$0x3F9E]  }
0x30: {  	s3 =	sld [smem:$0x3FA1]  }
0x31: {  	[smem:$0x3FAA] =	sst s10  }
0x32: {  	s10 =	sld [smem:$0x3FA8];
	_ =	sdelay $0x3  }
0x33: {  	p0 =	seq.s32 s10, $0x1;
	s10 =	sld [smem:$0x3FAA];
	_ =	sdelay $0x3  }
0x34: {  	[smem:$0x3FAA] =	sst s10  }
0x35: {  	s10 =	sld [smem:$0x3FA9];
	_ =	sdelay $0x3  }
0x36: {  	p1 =	seq.s32 s10, $0x1;
	s10 =	sld [smem:$0x3FAA];
	_ =	sdelay $0x3  }
0x37: {  	[smem:$0x3FAA] =	sst s10  }
0x38: {  	s10 =	sld [smem:$0x3FAB]  }
0x39: {  	_ = 	snop;
	(pc) =	sbr.ind lr, $3  }
0x3a: {  	_ = 	snop  }
0x3b: {  	_ = 	snop  }
0x3c: {  	p2 =	seq.s32 s10, $0x1;
	s10 =	sld [smem:$0x3FAA]  }
0x3d: {  	_ =	shalt  }
0x3e: {  	_ =	shalt  }
0x3f: {  	_ =	shalt  }
0x40: {  	_ =	shalt  }
0x41: {  	_ =	shalt  }
0x42: {  	_ =	shalt  }
0x43: {  	_ =	shalt  }
0x44: {  	_ =	shalt  }
0x45: {  	_ =	shalt  }
0x46: {  	_ =	shalt  }
0x47: {  	_ =	shalt  }
0x48: {  	_ =	shalt  }
0x49: {  	_ =	shalt  }
0x4a: {  	_ =	shalt  }
0x4b: {  	_ =	shalt  }
0x4c: {  	_ =	shalt  }
0x4d: {  	_ =	shalt  }
0x4e: {  	_ =	shalt  }
0x4f: {  	_ =	shalt  }
0x50: {  	_ =	shalt  }
0x51: {  	_ =	shalt  }
0x52: {  	_ =	shalt  }
0x53: {  	_ =	shalt  }
0x54: {  	_ =	shalt  }
0x55: {  	_ =	shalt  }
0x56: {  	_ =	shalt  }
0x57: {  	_ =	shalt  }
0x58: {  	_ =	shalt  }
0x59: {  	_ =	shalt  }
0x5a: {  	_ =	shalt  }
0x5b: {  	_ =	shalt  }
0x5c: {  	_ =	shalt  }
0x5d: {  	_ =	shalt  }
0x5e: {  	_ =	shalt  }
0x5f: {  	_ =	shalt  }
0x60: {  	_ =	shalt  }
0x61: {  	_ =	shalt  }
0x62: {  	_ =	shalt  }
0x63: {  	_ =	shalt  }
0x64: {  	_ =	shalt  }
0x65: {  	_ =	shalt  }
0x66: {  	_ =	shalt  }
0x67: {  	_ =	shalt  }
0x68: {  	_ =	shalt  }
0x69: {  	_ =	shalt  }
0x6a: {  	_ =	shalt  }
0x6b: {  	_ =	shalt  }
0x6c: {  	_ =	shalt  }
0x6d: {  	_ =	shalt  }
0x6e: {  	_ =	shalt  }
0x6f: {  	_ =	shalt  }
0x70: {  	_ =	shalt  }
0x71: {  	_ =	shalt  }
0x72: {  	_ =	shalt  }
0x73: {  	_ =	shalt  }
0x74: {  	_ =	shalt  }
0x75: {  	_ =	shalt  }
0x76: {  	_ =	shalt  }
0x77: {  	_ =	shalt  }
0x78: {  	_ =	shalt  }
0x79: {  	_ =	shalt  }
0x7a: {  	_ =	shalt  }
0x7b: {  	_ =	shalt  }
0x7c: {  	_ =	shalt  }
0x7d: {  	_ =	shalt  }
0x7e: {  	_ =	shalt  }
0x7f: {  	_ =	shalt  }
0x80: {  	_ =	shalt  }
0x81: {  	_ =	shalt  }
0x82: {  	_ =	shalt  }
0x83: {  	_ =	shalt  }
0x84: {  	_ =	shalt  }
0x85: {  	_ =	shalt  }
0x86: {  	_ =	shalt  }
0x87: {  	_ =	shalt  }
.Lfunc_end0:
.L_simem_size_0:
called_computation.1_lowered:
.L_overlay_start_0:
0x88: {  	s2 =	sld [smem:$0x3FD9]  }
0x89: {  	s3 =	sld [smem:$0x3FFE];
	_ =	sdelay $0x1  }
0x8a: {  	s1 =	srdreg.scid  }
0x8b: {  	s0 =	sand.u32 $0x1, s1  }
0x8c: {  	s14 =	sshll.u32 s0, $0xA;
	s2 =	sadd.s32 s3, s2  }
0x8d: {  	s2 =	sadd.s32 s2, s14  }
0x8e: {  	[smem:$0x3FB6] =	sst s2  }
0x8f: {  	_ = 	snop  }
0x90: {  	s2 =	sld [smem:$0x3FD0];
	_ =	sdelay $0x2  }
0x91: {  	s15 =	simm.s32 $0xA;
	s4 =	simm.s32 $0x10  }
0x92: {  	[smem:s4], [sflag:s15] =	dma.local [hbm:s2], $0x1  }
0x93: {  	_ =	swait.eq [sflag:s15], $0x1  }
0x94: {  	[sflag:s15] =	ssyncset.done $0x0  }
0x95: {  	[sflag:s15] =	ssyncadd.s32 $0xFFFFFFFF  }
0x96: {  	s16 =	sld [smem:$0x10];
	(tm) =	ssettm $0x1  }
0x97: {  	s17 =	sld [smem:$0x3FFB];
	_ =	sdelay $0x3  }
0x98: {  	_ =	strace s17  }
0x99: {  	s3 =	sld [smem:$0x3FFC];
	_ =	sdelay $0x3  }
0x9a: {  	_ =	strace s3  }
0x9b: {  	s3 =	sld [smem:$0x3FFD];
	_ =	sdelay $0x3  }
0x9c: {  	_ =	strace s3  }
0x9d: {  	_ =	strace $0x8FFFFFFF  }
0x9e: {  	s18 =	sld [smem:$0x3FDB];
	_ =	sdelay $0x1  }
0x9f: {  	s19 =	simm.s32 $_scs_section_size  }
0xa0: {  	s5 =	simm.s32 $_size__tile_overlayer_lowered;
	s6 =	simm.s32 $_tile_overlayer_lowered  }
0xa1: {  	s22 =	simm.s32 $0x1BFF;
	s21 =	sshll.u32 s6, $0x1;
	s3 =	sadd.s32 s19, s18  }
0xa2: {  	s7 =	simm.s32 $0x0;
	s20 =	sshll.u32 s5, $0x1;
	s5 =	sadd.s32 s21, s3  }
0xa3: {  	[timem:s7], [sflag:s22] =	dma.local [hbm:s5], s20  }
0xa4: {  	_ =	swait.ge [sflag:s22], s20  }
0xa5: {  	s4 =	ssub.s32 $0x0, s20;
	[sflag:s22] =	ssyncset.done $0x0  }
0xa6: {  	[sflag:s22] =	ssyncadd.s32 s4;
	_ =	sdelay $0x1  }
0xa7: {  	s23 =	simm.s32 $0x1B8B  }
0xa8: {  	_ =	swait.ge [sflag:s23], $0x1  }
0xa9: {  	[sflag:s23] =	ssyncset.done $0x0  }
0xaa: {  	s25 =	simm.s32 $0x1B8E;
	s24 =	sld [smem:$0x3FFE];
	[sflag:s23] =	ssyncadd.s32 $0xFFFFFFFF  }
0xab: {  	s26 =	simm.s32 $execute0_lowered;
	[smem:$0x3FD2] =	sst s25  }
0xac: {  	s5 =	sshll.u32 s26, $0x1;
	_ =	strace $0x80000049;
	[dreg:$0x1] =	wrdreg $0xFFFFFFFF  }
0xad: {  	s28 =	simm.s32 $_size_execute0_lowered;
	s3 =	sadd.s32 s3, s5;
	[dreg:$0x0] =	wrdreg $0x0  }
0xae: {  	s5 =	sshll.u32 s28, $0x1;
	[dreg:$0x2] =	wrdreg s3  }
0xaf: {  	[dreg:$0x3] =	wrdreg s5  }
0xb0: {  	[dreg:$0x4] =	wrdreg $0xC0  }
0xb1: {  	_ =	task [dreg:s7], $0x5FFFF  }
0xb2: {  	[dreg:$0x1] =	wrdreg $0xFFFFFFFF  }
0xb3: {  	[dreg:$0x0] =	wrdreg $0x60  }
0xb4: {  	[dreg:$0x2] =	wrdreg s24  }
0xb5: {  	[dreg:$0x3] =	wrdreg s16  }
0xb6: {  	[dreg:$0x4] =	wrdreg $0x91800  }
0xb7: {  	[dreg:$0x5] =	wrdreg $0x9  }
0xb8: {  	_ =	task.clear_ibuf [dreg:s7], $0x6FFFF;
	_ =	strace $0x90000049  }
0xb9: {  	s29 =	simm.s32 $0x9;
	_ =	strace $0x8000004B  }
0xba: {  	_ =	swait.ge [sflag:s29], $0x1  }
0xbb: {  	[sflag:s29] =	ssyncadd.s32 $0xFFFFFFFF  }
0xbc: {  	_ =	strace $0x9000004B  }
0xbd: {  	_ =	sfence  }
0xbe: {  	s30 =	sld [smem:$0x0];
	_ =	sdelay $0x2  }
0xbf: {  	s31 =	sshll.u32 s1, $0xD;
	s1 =	sshrl.u32 s1, $0x2  }
0xc0: {  	s3 =	sand.u32 $0x4000, s31;
	s1 =	sadd.s32 s1, s30  }
0xc1: {  	s0 =	sor.u32 s3, s0;
	s1 =	sshll.u32 s1, $0x11  }
0xc2: {  	s0 =	sor.u32 s1, s0  }
0xc3: {  	s0 =	sadd.s32 $0x8F2B, s0  }
0xc4: {  	[sflag:s0] =	ssyncadd.remote.s32 $0x1  }
0xc5: {  	_ =	sfence.sel $0xFFFF  }
0xc6: {  	[dreg:$0x0] =	wrdreg $0xFFFFFFFF;
	(pc) =	sbr.abs _section_cstart, $3  }
0xc7: {  	[dreg:$0x1] =	wrdreg $0xFFFFFFFF  }
0xc8: {  	_ =	task.clear_ibuf [dreg:s7], $0x2FFFF;
	_ =	strace $0x9FFFFFFF  }
0xc9: {  	(tm) =	ssettm $0x7FFFFFFF  }
tec
execute0_lowered:
.L_overlay_start_1:
0x0: {  	(tag) =	ssettag $0x1  }
0x1: {  	s0 =	rddreg [dreg:$0x0]  }
0x2: {  	s2 =	rddreg [dreg:$0x2];
	s1 =	simm.s32 $0x0;
	s13 =	srdreg.scid  }
0x3: {  	s10 =	stileid.u32;
	s28 =	simm.s32 $0x5180;
	s29 =	simm.s32 $0x5000  }
0x4: {  	s30 =	simm.s32 $0x5080;
	s31 =	simm.s32 $0x80;
	[smem:$0x7FF] =	sst s1  }
0x5: {  	s5 =	sadd.s32 $0x3DC00, s0;
	s3 =	sadd.s32 $0x65C00, s0;
	s1 =	sand.u32 $0x1, s13  }
0x6: {  	s14 =	smul.u32 $0x50000, s10;
	s7 =	sadd.s32 $0xBA00, s0;
	s8 =	sadd.s32 $0x1800, s0  }
0x7: {  	s11 =	smul.u32 $0x14000, s10;
	s0 =	sadd.s32 $0x66200, s0;
	s15 =	sshll.u32 s10, $0x1  }
0x8: {  	_ =	strace $0x8000004A;
	[dreg:$0x4] =	wrdreg s3;
	s4 =	ssub.s32 $0x2, s1  }
0x9: {  	s6 =	smul.u32 $0x140000, s1;
	s1 =	sor.u32 s1, s15;
	s9 =	sshrl.u32 s4, $0x1  }
0xa: {  	s3 =	sshrl.u32 s14, $0x2;
	s10 =	smul.u32 $0x51, s1;
	s18 =	sadd.s32 $0x4000, s11  }
0xb: {  	s21 =	sadd.s32 $0x8000, s11;
	s23 =	sadd.s32 $0xC000, s11;
	s4 =	ssub.s32 s4, s9  }
0xc: {  	s12 =	sadd.s32 s6, s11;
	s9 =	sadd.s32 s3, s2;
	s20 =	sadd.s32 s6, s18  }
0xd: {  	s22 =	sadd.s32 s6, s21;
	s24 =	sadd.s32 s6, s23;
	s11 =	sadd.s32 $0x10000, s11  }
0xe: {  	s25 =	sadd.s32 s23, s2;
	s16 =	sshrl.u32 s12, $0x3;
	s17 =	smax.u32 s4, $0x1  }
0xf: {  	s3 =	sadd.s32 $0x4000, s9;
	s19 =	sadd.s32 $0x8000, s9;
	s15 =	sadd.s32 $0xC000, s9  }
0x10: {  	s4 =	sadd.s32 s21, s2;
	s6 =	sadd.s32 s6, s11;
	[dreg:$0x6] =	wrdreg s17  }
0x11: {  	s26 =	sadd.s32 s11, s2;
	s21 =	simm.s32 $0x2;
	[dreg:$0x7] =	wrdreg s3  }
0x12: {  	s1 =	sadd.s32 s0, s16;
	[dreg:$0x8] =	wrdreg s19;
	s3 =	sshrl.u32 s20, $0x3  }
0x13: {  	s16 =	sadd.s32 $0x10000, s9;
	s6 =	sshrl.u32 s6, $0x3;
	s23 =	sshrl.u32 s4, $0x3  }
0x14: {  	s4 =	simm.s32 $0x0;
	[dreg:$0x5] =	wrdreg s1;
	s17 =	sadd.s32 s0, s3  }
0x15: {  	s1 =	sadd.s32 s18, s2;
	s3 =	sshrl.u32 s22, $0x3;
	s20 =	sadd.s32 s0, s6  }
0x16: {  	s18 =	sadd.s32 s0, s3;
	s3 =	sshrl.u32 s24, $0x3;
	s22 =	sshrl.u32 s1, $0x3  }
0x17: {  	s24 =	sshrl.u32 s25, $0x3;
	s25 =	sshrl.u32 s26, $0x3;
	s26 =	simm.s32 $0x2800  }
0x18: {  	v0 =	vimm.f32 $0.0e+00;
	s1 =	simm.s32 $0x5100;
	s19 =	sadd.s32 s0, s3;
	s0 =	simm.s32 $0x1  }
.LBB2_1:
0x19: {  	s3 =	rddreg [dreg:$0x1];
	s6 =	simm.s32 $0x0  }
0x1a: {  	[tilespmem:s6], [sflag:$0x2] =	stream.linear.gather [hbm4b:s3+s6], $0x2800, $0x38;
	[tilespmem:$0x1D180] =	vst v63  }
0x1b: {  	_ =	swait.ge [sflag:s21], $0x2800  }
0x1c: {  	[sflag:s21] =	ssyncset.done $0x0  }
0x1d: {  	s14 =	rddreg [dreg:$0x4];
	[sflag:s21] =	ssyncadd.s32 $0xFFFFD800  }
0x1e: {  	[tilespmem:s26], [sflag:$0x2] =	stream.linear.gather [hbm4b:s14+s6], $0x2800, $0x38;
	[tilespmem:$0x1D180] =	vst v63  }
0x1f: {  	_ =	swait.ge [sflag:s21], $0x2800  }
0x20: {  	[sflag:s21] =	ssyncset.done $0x0  }
0x21: {  	s3 =	simm.s32 $0x0;
	s6 =	simm.s32 $0x200;
	[sflag:s21] =	ssyncadd.s32 $0xFFFFD800  }
.LBB2_2:
0x22: {  	p0 =	sne.s32 s6, $0xFE00;
	[tilespmem:s3+$0x51F0] =	vst v0  }
0x23: {  	[tilespmem:s3+$0x5180] =	vst v0  }
0x24: {  	[tilespmem:s3+$0x5190] =	vst v0  }
.Ltmp0:
0x25: {  	[tilespmem:s3+$0x51A0] =	vst v0;
	(pc) =	sbr.rel @p0 .LBB2_2-.Ltmp0, $4  }
0x26: {  	[tilespmem:s3+$0x51B0] =	vst v0  }
0x27: {  	[tilespmem:s3+$0x51C0] =	vst v0  }
0x28: {  	[tilespmem:s3+$0x51D0] =	vst v0  }
0x29: {  	[tilespmem:s3+$0x51E0] =	vst v0;
	s3 =	sshra.s32 s6, $0x2;
	s6 =	sadd.s32 $0x200, s6  }
0x2a: {  	[tilespmem:s3+$0x51F0] =	vst v0  }
0x2b: {  	[tilespmem:s3+$0x5180] =	vst v0  }
0x2c: {  	[tilespmem:s3+$0x5190] =	vst v0  }
0x2d: {  	[tilespmem:s3+$0x51A0] =	vst v0  }
0x2e: {  	[tilespmem:s3+$0x51B0] =	vst v0  }
0x2f: {  	[tilespmem:s3+$0x51C0] =	vst v0  }
0x30: {  	[tilespmem:s3+$0x51D0] =	vst v0  }
0x31: {  	[tilespmem:s3+$0x51E0] =	vst v0  }
0x32: {  	[spmem:s9] =	stream.linear.scatter [tilespmem:s28], [sflag:$0x2], $0x4000, $0x38;
	[tilespmem:$0x1D180] =	vst v63  }
0x33: {  	_ =	swait.ge [sflag:s21], $0x4000  }
0x34: {  	[sflag:s21] =	ssyncset.done $0x0  }
0x35: {  	s13 =	rddreg [dreg:$0x7];
	[sflag:s21] =	ssyncadd.s32 $0xFFFFC000  }
0x36: {  	[spmem:s13] =	stream.linear.scatter [tilespmem:s28], [sflag:$0x2], $0x4000, $0x38;
	[tilespmem:$0x1D180] =	vst v63  }
0x37: {  	_ =	swait.ge [sflag:s21], $0x4000  }
0x38: {  	[sflag:s21] =	ssyncset.done $0x0  }
0x39: {  	s14 =	rddreg [dreg:$0x8];
	[sflag:s21] =	ssyncadd.s32 $0xFFFFC000  }
0x3a: {  	[spmem:s14] =	stream.linear.scatter [tilespmem:s28], [sflag:$0x2], $0x4000, $0x38;
	[tilespmem:$0x1D180] =	vst v63  }
0x3b: {  	_ =	swait.ge [sflag:s21], $0x4000  }
0x3c: {  	[sflag:s21] =	ssyncset.done $0x0  }
0x3d: {  	[sflag:s21] =	ssyncadd.s32 $0xFFFFC000  }
0x3e: {  	[spmem:s15] =	stream.linear.scatter [tilespmem:s28], [sflag:$0x2], $0x4000, $0x38;
	[tilespmem:$0x1D180] =	vst v63  }
0x3f: {  	_ =	swait.ge [sflag:s21], $0x4000  }
0x40: {  	[sflag:s21] =	ssyncset.done $0x0  }
0x41: {  	[sflag:s21] =	ssyncadd.s32 $0xFFFFC000  }
0x42: {  	[spmem:s16] =	stream.linear.scatter [tilespmem:s28], [sflag:$0x2], $0x4000, $0x38;
	[tilespmem:$0x1D180] =	vst v63  }
0x43: {  	_ =	swait.ge [sflag:s21], $0x4000  }
0x44: {  	[sflag:s21] =	ssyncset.done $0x0  }
0x45: {  	[sflag:s21] =	ssyncadd.s32 $0xFFFFC000  }
0x46: {  	s3 =	simm.s32 $0x0;
	s6 =	simm.s32 $0x0;
	[bflag:$0x0] =	sbarrier.arrive $0xFFFF  }
.LBB2_4:
0x47: {  	s11 =	sadd.s32 s10, s6  }
0x48: {  	s11 =	sshll.u32 s11, $0x4  }
0x49: {  	s12 =	sadd.s32 s7, s11  }
0x4a: {  	[tilespmem:s29], [sflag:$0x2] =	stream.linear.gather [hbm4b:s12+s3], $0x80, $0x38;
	[tilespmem:$0x1D180] =	vst v63  }
0x4b: {  	_ =	swait.ge [sflag:s21], $0x80  }
0x4c: {  	[sflag:s21] =	ssyncset.done $0x0  }
0x4d: {  	s11 =	sadd.s32 s8, s11;
	[sflag:s21] =	ssyncadd.s32 $0xFFFFFF80  }
0x4e: {  	[tilespmem:s30], [sflag:$0x2] =	stream.linear.gather [hbm4b:s11+s3], $0x80, $0x38;
	[tilespmem:$0x1D180] =	vst v63  }
0x4f: {  	_ =	swait.ge [sflag:s21], $0x80  }
0x50: {  	[sflag:s21] =	ssyncset.done $0x0  }
0x51: {  	[sflag:s21] =	ssyncadd.s32 $0xFFFFFF80  }
0x52: {  	[tilespmem:s28], [sflag:$0x1] =	stream.indirect.gather [hbm4b:s5+s31], $0x80, s29, s31, $0xb8;
	[tilespmem:$0x1D180] =	vst v63  }
0x53: {  	_ =	swait.ge [sflag:s0], $0x4000  }
0x54: {  	[sflag:s0] =	ssyncset.done $0x0  }
0x55: {  	[sflag:s0] =	ssyncadd.s32 $0xFFFFC000  }
0x56: {  	v1 =	vld [tilespmem:$0x5000]  }
0x57: {  	v2 =	vld [tilespmem:$0x5080];
	_ =	sdelay $0x6  }
0x58: {  	v1 =	vld.idx.msk [tilespmem:v1+s3+$0x0], $0xffff  }
0x59: {  	v2 =	vld.idx.msk [tilespmem:v2+s26+$0x0], $0xffff;
	_ =	sdelay $0x4  }
0x5a: {  	v1 =	vadd.f32 v2, v1;
	_ =	sdelay $0x1  }
0x5b: {  	v2 =	vmul.f32 $2.000000030e-01, v1;
	_ =	sdelay $0x1  }
0x5c: {  	v1 =	vmax.f32 v1, v2  }
0x5d: {  	v1 =	vmul.f32 $1.442695020e+00, v1;
	_ =	sdelay $0x1  }
0x5e: {  	(erf) = vpow2.f32 v1;
	_ =	sdelay $0x2  }
0x5f: {  	v1 =	vld [tilespmem:$0x5010]  }
0x60: {  	v2 =	vld [tilespmem:$0x5090];
	_ =	sdelay $0x4  }
0x61: {  	v3 =	vpop (erf)  }
0x62: {  	[tilespmem:$0x5100] =	vst v3  }
0x63: {  	v1 =	vld.idx.msk [tilespmem:v1+s3+$0x0], $0xffff  }
0x64: {  	v2 =	vld.idx.msk [tilespmem:v2+s26+$0x0], $0xffff;
	_ =	sdelay $0x4  }
0x65: {  	v1 =	vadd.f32 v2, v1;
	_ =	sdelay $0x1  }
0x66: {  	v2 =	vmul.f32 $2.000000030e-01, v1;
	_ =	sdelay $0x1  }
0x67: {  	v1 =	vmax.f32 v1, v2  }
0x68: {  	v1 =	vmul.f32 $1.442695020e+00, v1;
	_ =	sdelay $0x1  }
0x69: {  	(erf) = vpow2.f32 v1;
	_ =	sdelay $0x2  }
0x6a: {  	v1 =	vld [tilespmem:$0x5020]  }
0x6b: {  	v2 =	vld [tilespmem:$0x50A0];
	_ =	sdelay $0x4  }
0x6c: {  	v3 =	vpop (erf)  }
0x6d: {  	[tilespmem:$0x5110] =	vst v3  }
0x6e: {  	v1 =	vld.idx.msk [tilespmem:v1+s3+$0x0], $0xffff  }
0x6f: {  	v2 =	vld.idx.msk [tilespmem:v2+s26+$0x0], $0xffff;
	_ =	sdelay $0x4  }
0x70: {  	v1 =	vadd.f32 v2, v1;
	_ =	sdelay $0x1  }
0x71: {  	v2 =	vmul.f32 $2.000000030e-01, v1;
	_ =	sdelay $0x1  }
0x72: {  	v1 =	vmax.f32 v1, v2  }
0x73: {  	v1 =	vmul.f32 $1.442695020e+00, v1;
	_ =	sdelay $0x1  }
0x74: {  	(erf) = vpow2.f32 v1;
	_ =	sdelay $0x2  }
0x75: {  	v1 =	vld [tilespmem:$0x5030]  }
0x76: {  	v2 =	vld [tilespmem:$0x50B0];
	_ =	sdelay $0x4  }
0x77: {  	v3 =	vpop (erf)  }
0x78: {  	[tilespmem:$0x5120] =	vst v3  }
0x79: {  	v1 =	vld.idx.msk [tilespmem:v1+s3+$0x0], $0xffff  }
0x7a: {  	v2 =	vld.idx.msk [tilespmem:v2+s26+$0x0], $0xffff;
	_ =	sdelay $0x4  }
0x7b: {  	v1 =	vadd.f32 v2, v1;
	_ =	sdelay $0x1  }
0x7c: {  	v2 =	vmul.f32 $2.000000030e-01, v1;
	_ =	sdelay $0x1  }
0x7d: {  	v1 =	vmax.f32 v1, v2  }
0x7e: {  	v1 =	vmul.f32 $1.442695020e+00, v1;
	_ =	sdelay $0x1  }
0x7f: {  	(erf) = vpow2.f32 v1;
	_ =	sdelay $0x2  }
0x80: {  	v1 =	vld [tilespmem:$0x5040]  }
0x81: {  	v2 =	vld [tilespmem:$0x50C0];
	_ =	sdelay $0x4  }
0x82: {  	v3 =	vpop (erf)  }
0x83: {  	[tilespmem:$0x5130] =	vst v3  }
0x84: {  	v1 =	vld.idx.msk [tilespmem:v1+s3+$0x0], $0xffff  }
0x85: {  	v2 =	vld.idx.msk [tilespmem:v2+s26+$0x0], $0xffff;
	_ =	sdelay $0x4  }
0x86: {  	v1 =	vadd.f32 v2, v1;
	_ =	sdelay $0x1  }
0x87: {  	v2 =	vmul.f32 $2.000000030e-01, v1;
	_ =	sdelay $0x1  }
0x88: {  	v1 =	vmax.f32 v1, v2  }
0x89: {  	v1 =	vmul.f32 $1.442695020e+00, v1;
	_ =	sdelay $0x1  }
0x8a: {  	(erf) = vpow2.f32 v1;
	_ =	sdelay $0x2  }
0x8b: {  	v1 =	vld [tilespmem:$0x5050]  }
0x8c: {  	v2 =	vld [tilespmem:$0x50D0];
	_ =	sdelay $0x4  }
0x8d: {  	v3 =	vpop (erf)  }
0x8e: {  	[tilespmem:$0x5140] =	vst v3  }
0x8f: {  	v1 =	vld.idx.msk [tilespmem:v1+s3+$0x0], $0xffff  }
0x90: {  	v2 =	vld.idx.msk [tilespmem:v2+s26+$0x0], $0xffff;
	_ =	sdelay $0x4  }
0x91: {  	v1 =	vadd.f32 v2, v1;
	_ =	sdelay $0x1  }
0x92: {  	v2 =	vmul.f32 $2.000000030e-01, v1;
	_ =	sdelay $0x1  }
0x93: {  	v1 =	vmax.f32 v1, v2  }
0x94: {  	v1 =	vmul.f32 $1.442695020e+00, v1;
	_ =	sdelay $0x1  }
0x95: {  	(erf) = vpow2.f32 v1;
	_ =	sdelay $0x2  }
0x96: {  	v1 =	vld [tilespmem:$0x5060]  }
0x97: {  	v2 =	vld [tilespmem:$0x50E0];
	_ =	sdelay $0x4  }
0x98: {  	v3 =	vpop (erf)  }
0x99: {  	[tilespmem:$0x5150] =	vst v3  }
0x9a: {  	v1 =	vld.idx.msk [tilespmem:v1+s3+$0x0], $0xffff  }
0x9b: {  	v2 =	vld.idx.msk [tilespmem:v2+s26+$0x0], $0xffff;
	_ =	sdelay $0x4  }
0x9c: {  	v1 =	vadd.f32 v2, v1;
	_ =	sdelay $0x1  }
0x9d: {  	v2 =	vmul.f32 $2.000000030e-01, v1;
	_ =	sdelay $0x1  }
0x9e: {  	v1 =	vmax.f32 v1, v2  }
0x9f: {  	v1 =	vmul.f32 $1.442695020e+00, v1;
	_ =	sdelay $0x1  }
0xa0: {  	(erf) = vpow2.f32 v1;
	_ =	sdelay $0x2  }
0xa1: {  	v1 =	vld [tilespmem:$0x5070]  }
0xa2: {  	v2 =	vld [tilespmem:$0x50F0];
	_ =	sdelay $0x4  }
0xa3: {  	v3 =	vpop (erf)  }
0xa4: {  	[tilespmem:$0x5160] =	vst v3  }
0xa5: {  	v1 =	vld.idx.msk [tilespmem:v1+s3+$0x0], $0xffff  }
0xa6: {  	v2 =	vld.idx.msk [tilespmem:v2+s26+$0x0], $0xffff;
	_ =	sdelay $0x4  }
0xa7: {  	v1 =	vadd.f32 v2, v1;
	_ =	sdelay $0x1  }
0xa8: {  	v2 =	vmul.f32 $2.000000030e-01, v1;
	_ =	sdelay $0x1  }
0xa9: {  	v1 =	vmax.f32 v1, v2  }
0xaa: {  	v1 =	vmul.f32 $1.442695020e+00, v1;
	_ =	sdelay $0x1  }
0xab: {  	(erf) = vpow2.f32 v1;
	_ =	sdelay $0x8  }
0xac: {  	v2 =	vmov s3;
	v1 =	vpop (erf)  }
0xad: {  	s11 =	simm.s32 $0x51C0;
	[tilespmem:$0x5170] =	vst v1  }
0xae: {  	v5 =	vld [tilespmem:s11+$0x30]  }
0xaf: {  	v8 =	vld [tilespmem:s11+$0x10]  }
0xb0: {  	v6 =	vld [tilespmem:s11+$0xFFFFFFC0]  }
0xb1: {  	v2 =	vld.idx.msk [tilespmem:v2+s1+$0x0], $0xffff  }
0xb2: {  	v10 =	vld [tilespmem:s11+$0xFFFFFFE0]  }
0xb3: {  	v1 =	vld [tilespmem:s11+$0xFFFFFFF0]  }
0xb4: {  	v3 =	vld [tilespmem:s11+$0x20]  }
0xb5: {  	v4 =	vld [tilespmem:s11+$0xFFFFFFD0]  }
0xb6: {  	v9 =	vmul.f32 v5, v2;
	v5 =	vld [tilespmem:s11+$0x0]  }
0xb7: {  	v7 =	vmul.f32 v6, v2  }
0xb8: {  	s13 =	simm.s32 $0x51C0;
	s12 =	simm.s32 $0x1;
	v6 =	vmul.f32 v10, v2;
	v8 =	vmul.f32 v8, v2  }
.LBB2_5:
0xb9: {  	p0 =	sne.s32 s12, $0x7F  }
0xba: {  	v4 =	vmul.f32 v4, v2;
	v3 =	vmul.f32 v3, v2;
	[tilespmem:s11+$0x30] =	vst v9;
	s13 =	sadd.s32 $0x80, s13;
	s14 =	smov.u32 s12;
	s12 =	sadd.s32 $0x1, s12  }
0xbb: {  	[tilespmem:s11+$0xFFFFFFC0] =	vst v7;
	v7 =	vmul.f32 v1, v2;
	v2 =	vmul.f32 v5, v2  }
0xbc: {  	[tilespmem:s11+$0x10] =	vst v8  }
0xbd: {  	v5 =	vmov s14;
	[tilespmem:s11+$0xFFFFFFE0] =	vst v6  }
0xbe: {  	v1 =	vld [tilespmem:s13+$0xFFFFFFF0];
	[tilespmem:s11+$0xFFFFFFF0] =	vst v7  }
0xbf: {  	v6 =	vld [tilespmem:s13+$0x30];
	[tilespmem:s11+$0x0] =	vst v2  }
0xc0: {  	v8 =	vld [tilespmem:s13+$0x10];
	[tilespmem:s11+$0x20] =	vst v3  }
0xc1: {  	v7 =	vld [tilespmem:s13+$0xFFFFFFC0];
	[tilespmem:s11+$0xFFFFFFD0] =	vst v4;
	s11 =	smov.u32 s13  }
0xc2: {  	v2 =	vld.idx.msk [tilespmem:v5+s1+$0x0], $0xffff  }
0xc3: {  	v10 =	vld [tilespmem:s13+$0xFFFFFFE0]  }
0xc4: {  	v3 =	vld [tilespmem:s13+$0x20]  }
.Ltmp1:
0xc5: {  	v4 =	vld [tilespmem:s13+$0xFFFFFFD0];
	(pc) =	sbr.rel @p0 .LBB2_5-.Ltmp1, $3  }
0xc6: {  	v5 =	vld [tilespmem:s13+$0x0];
	_ =	sdelay $0x1  }
0xc7: {  	v7 =	vmul.f32 v7, v2;
	v9 =	vmul.f32 v6, v2  }
0xc8: {  	v8 =	vmul.f32 v8, v2;
	v6 =	vmul.f32 v10, v2  }
0xc9: {  	[tilespmem:s11+$0x30] =	vst v9  }
0xca: {  	[tilespmem:s11+$0xFFFFFFC0] =	vst v7  }
0xcb: {  	v1 =	vmul.f32 v1, v2;
	[tilespmem:s11+$0x10] =	vst v8  }
0xcc: {  	v3 =	vmul.f32 v3, v2;
	[tilespmem:s11+$0xFFFFFFE0] =	vst v6  }
0xcd: {  	v5 =	vmul.f32 v5, v2;
	[tilespmem:s11+$0xFFFFFFF0] =	vst v1  }
0xce: {  	s6 =	sadd.s32 $0x1, s6;
	v1 =	vmul.f32 v4, v2;
	[tilespmem:s11+$0x20] =	vst v3  }
0xcf: {  	p0 =	sne.s32 s6, $0x51;
	[tilespmem:s11+$0x0] =	vst v5  }
.Ltmp2:
0xd0: {  	[tilespmem:s11+$0xFFFFFFD0] =	vst v1;
	(pc) =	sbr.rel @p0 .LBB2_4-.Ltmp2, $4  }
0xd1: {  	[spmem:s2] =	stream.indirect.scatter.add.f32 [tilespmem:s28], [sflag:$0x2], $0x80, s30, s31, $0xb8;
	[tilespmem:$0x1D180] =	vst v63  }
0xd2: {  	_ =	swait.ge [sflag:s21], $0x4000  }
0xd3: {  	[sflag:s21] =	ssyncset.done $0x0  }
0xd4: {  	[sflag:s21] =	ssyncadd.s32 $0xFFFFC000  }
0xd5: {  	s3 =	stileid.u32  }
0xd6: {  	[bflag:$0x0] =	sbarrier.arrive $0xFFFF;
	s3 =	sshll.u32 s3, $0x6  }
0xd7: {  	s6 =	sshrl.u32 s9, $0x3;
	s11 =	rddreg [dreg:$0x5];
	s3 =	sor.u32 $0x1C02, s3  }
0xd8: {  	[hbm:s11], [sflag:s3] =	dma.local [spmem:s6], $0x800  }
0xd9: {  	_ =	swait.ge [sflag:s21], $0x800  }
0xda: {  	[sflag:s21] =	ssyncset.done $0x0  }
0xdb: {  	[sflag:s21] =	ssyncadd.s32 $0xFFFFF800  }
0xdc: {  	[hbm:s17], [sflag:s3] =	dma.local [spmem:s22], $0x800  }
0xdd: {  	_ =	swait.ge [sflag:s21], $0x800  }
0xde: {  	[sflag:s21] =	ssyncset.done $0x0  }
0xdf: {  	[sflag:s21] =	ssyncadd.s32 $0xFFFFF800  }
0xe0: {  	[hbm:s18], [sflag:s3] =	dma.local [spmem:s23], $0x800  }
0xe1: {  	_ =	swait.ge [sflag:s21], $0x800  }
0xe2: {  	[sflag:s21] =	ssyncset.done $0x0  }
0xe3: {  	[sflag:s21] =	ssyncadd.s32 $0xFFFFF800  }
0xe4: {  	[hbm:s19], [sflag:s3] =	dma.local [spmem:s24], $0x800  }
0xe5: {  	_ =	swait.ge [sflag:s21], $0x800  }
0xe6: {  	[sflag:s21] =	ssyncset.done $0x0  }
0xe7: {  	[sflag:s21] =	ssyncadd.s32 $0xFFFFF800  }
0xe8: {  	[hbm:s20], [sflag:s3] =	dma.local [spmem:s25], $0x800  }
0xe9: {  	_ =	swait.ge [sflag:s21], $0x800  }
0xea: {  	s4 =	sadd.s32 $0x1, s4;
	s14 =	rddreg [dreg:$0x6]  }
0xeb: {  	p0 =	sne.s32 s4, s14  }
.Ltmp3:
0xec: {  	_ = 	snop;
	(pc) =	sbr.rel @p0 .LBB2_1-.Ltmp3, $3  }
0xed: {  	_ =	sdelay $0x1  }
0xee: {  	[sflag:s21] =	ssyncset.done $0x0  }
0xef: {  	[sflag:s21] =	ssyncadd.s32 $0xFFFFF800  }
0xf0: {  	_ =	sfence.sel $0x180000  }
0xf1: {  	[bflag:$0x0] =	sbarrier.arrive $0xFFFF  }
0xf2: {  	_ =	strace $0x9000004A  }
0xf3: {  	s0 =	stileid.u32;
	[bflag:$0x2] =	sbarrier.arrive $0xFFFF  }
0xf4: {  	p0 =	sne.s32 s0, $0x0;
	s0 =	rddreg [dreg:$0x3]  }
0xf5: {  	s0 =	sadd.s32 @!p0 $0x100000, s0  }
0xf6: {  	[sflag:s0] =	ssyncadd.tile.s32 @!p0 $0x1;
	_ =	shalt  }
.Lfunc_end2:
_tile_overlayer_lowered:
.L_overlay_start_2:
0xf7: {  	(tag) =	ssettag $0x2  }
0xf8: {  	s0 =	rddreg [dreg:$0x0];
	s2 =	stileid.u32  }
0xf9: {  	s1 =	rddreg [dreg:$0x1];
	p0 =	sne.s32 s2, $0x0  }
0xfa: {  	s3 =	rddreg [dreg:$0x2];
	[bflag:$0x3] =	sbarrier.arrive $0xFFFF;
	s2 =	simm.s32 @!p0 $0x1C02  }
0xfb: {  	[timem:s3], [sflag:s2] =	dma.local @!p0 [hbm:s0], s1  }
0xfc: {  	s0 =	simm.s32 @!p0 $0x2  }
0xfd: {  	_ =	swait.ge @!p0 [sflag:s0], s1  }
0xfe: {  	s1 =	ssub.s32 @!p0 $0x0, s1;
	[sflag:s0] =	ssyncset.done @!p0 $0x0  }
0xff: {  	[sflag:s0] =	ssyncadd.s32 @!p0 s1  }
0x100: {  	[bflag:$0x3] =	sbarrier.arrive $0xFFFF  }
0x101: {  	_ =	shalt  }

// kernel: kernel.9.cloned.1.call-start
scs
__scs_entry_jumppad:
0x0: {  	(pc) =	sbr.rel $0x88, $3  }
0x1: {  	(tag) =	ssettag $0x0;
	lr =	simm.s32 $0x1  }
0x2: {  	[smem:$0x3F8F] =	sst lr;
	_ =	strace $0xD0000000  }
0x3: {  	_ = 	snop  }
0x4: {  	_ = 	snop  }
0x5: {  	_ = 	snop  }
0x6: {  	_ = 	snop  }
0x7: {  	_ = 	snop  }
__scs_overlays_trampoline_lowered:
0x8: {  	[smem:$0x3F9E] =	sst s0  }
0x9: {  	[smem:$0x3F9F] =	sst s1  }
0xa: {  	[smem:$0x3FA0] =	sst s2  }
0xb: {  	[smem:$0x3FA1] =	sst s3  }
0xc: {  	[smem:$0x3FA2] =	sst s4  }
0xd: {  	[smem:$0x3FA3] =	sst s5  }
0xe: {  	[smem:$0x3FA4] =	sst s6  }
0xf: {  	[smem:$0x3FA5] =	sst s7  }
0x10: {  	[smem:$0x3FA6] =	sst s8  }
0x11: {  	[smem:$0x3FA7] =	sst s9;
	s0 =	simm.s32 @!p0 $0x0  }
0x12: {  	s1 =	sld [smem:$0x3F8D];
	s0 =	simm.s32 @p0 $0x1  }
0x13: {  	[smem:$0x3FA8] =	sst s0;
	s0 =	simm.s32 @!p1 $0x0  }
0x14: {  	s2 =	sld [smem:$0x3F8C];
	s0 =	simm.s32 @p1 $0x1  }
0x15: {  	[smem:$0x3FA9] =	sst s0;
	s0 =	simm.s32 @!p2 $0x0  }
0x16: {  	s3 =	sld [smem:$0x3FDB];
	s0 =	simm.s32 @p2 $0x1  }
0x17: {  	s4 =	simm.s32 $0x1BF5;
	[smem:$0x3FAB] =	sst s0  }
0x18: {  	s0 =	sld [smem:$0x3F8E];
	_ =	swait.ge [sflag:s4], $0x0  }
0x19: {  	s7 =	sld [smem:$0x3F8F]  }
0x1a: {  	s8 =	sadd.s32 $0xFFFFE003, lr  }
0x1b: {  	s9 =	sadd.s32 $0xFFFFFEF7, lr;
	s5 =	simm.s32 $0xFFFFFFFF;
	p2 =	slt.u32 s8, $0xFFFFF086  }
0x1c: {  	p1 =	slt.u32 s9, $0xF7A;
	s5 =	simm.s32 @!p2 $0x0  }
0x1d: {  	s5 =	simm.s32 @p1 $0x1;
	p0 =	seq.s32 s7, s2  }
0x1e: {  	s7 =	smul.u32 @!p0 $0xF7A, s2;
	p2 =	seq.s32 @!p0 s5, $0x0  }
0x1f: {  	s9 =	smul.u32 $0xF7A, s1;
	s8 =	simm.s32 @!p0 $0x1BF5;
	p2 =	por !p2, p0  }
0x20: {  	[sflag:s8] =	ssyncset.s32 @!p0 $0xFFFFF086;
	s6 =	sadd.s32 @!p0 s3, s7;
	s7 =	simm.s32 @!p0 $0x108  }
0x21: {  	s3 =	sadd.s32 s3, s9;
	s6 =	sadd.s32 @!p0 $0x88, s6;
	s7 =	simm.s32 @p2 $0x1082  }
0x22: {  	[simem:s7], [sflag:s8] =	dma.local @!p0 [hbm:s6], $0xF7A  }
0x23: {  	s9 =	sor.u32 $0xD0000000, s2;
	s6 =	simm.s32 $0x108;
	_ =	swait.ge @!p0 [sflag:s8], $0x0  }
0x24: {  	s3 =	sadd.s32 $0x88, s3;
	s6 =	simm.s32 @!p1 $0x1082;
	[sflag:s4] =	ssyncset.s32 $0xFFFFF086  }
0x25: {  	[simem:s6], [sflag:s4] =	dma.local [hbm:s3], $0xF7A  }
0x26: {  	[smem:$0x3F8F] =	sst s1;
	(tag) =	ssettag s2;
	_ =	strace s9  }
0x27: {  	s1 =	sld [smem:$0x3F9F]  }
0x28: {  	s2 =	sld [smem:$0x3FA0]  }
0x29: {  	s4 =	sld [smem:$0x3FA2]  }
0x2a: {  	p0 =	seq.s32 s5, $0x0;
	s5 =	sld [smem:$0x3FA3]  }
0x2b: {  	s6 =	sld [smem:$0x3FA4]  }
0x2c: {  	s7 =	sld [smem:$0x3FA5]  }
0x2d: {  	s3 =	simm.s32 $0x108;
	s8 =	sld [smem:$0x3FA6]  }
0x2e: {  	s3 =	simm.s32 @!p0 $0x1082;
	s9 =	sld [smem:$0x3FA7]  }
0x2f: {  	lr =	sadd.s32 s0, s3;
	s0 =	sld [smem:$0x3F9E]  }
0x30: {  	s3 =	sld [smem:$0x3FA1]  }
0x31: {  	[smem:$0x3FAA] =	sst s10  }
0x32: {  	s10 =	sld [smem:$0x3FA8];
	_ =	sdelay $0x3  }
0x33: {  	p0 =	seq.s32 s10, $0x1;
	s10 =	sld [smem:$0x3FAA];
	_ =	sdelay $0x3  }
0x34: {  	[smem:$0x3FAA] =	sst s10  }
0x35: {  	s10 =	sld [smem:$0x3FA9];
	_ =	sdelay $0x3  }
0x36: {  	p1 =	seq.s32 s10, $0x1;
	s10 =	sld [smem:$0x3FAA];
	_ =	sdelay $0x3  }
0x37: {  	[smem:$0x3FAA] =	sst s10  }
0x38: {  	s10 =	sld [smem:$0x3FAB]  }
0x39: {  	_ = 	snop;
	(pc) =	sbr.ind lr, $3  }
0x3a: {  	_ = 	snop  }
0x3b: {  	_ = 	snop  }
0x3c: {  	p2 =	seq.s32 s10, $0x1;
	s10 =	sld [smem:$0x3FAA]  }
0x3d: {  	_ =	shalt  }
0x3e: {  	_ =	shalt  }
0x3f: {  	_ =	shalt  }
0x40: {  	_ =	shalt  }
0x41: {  	_ =	shalt  }
0x42: {  	_ =	shalt  }
0x43: {  	_ =	shalt  }
0x44: {  	_ =	shalt  }
0x45: {  	_ =	shalt  }
0x46: {  	_ =	shalt  }
0x47: {  	_ =	shalt  }
0x48: {  	_ =	shalt  }
0x49: {  	_ =	shalt  }
0x4a: {  	_ =	shalt  }
0x4b: {  	_ =	shalt  }
0x4c: {  	_ =	shalt  }
0x4d: {  	_ =	shalt  }
0x4e: {  	_ =	shalt  }
0x4f: {  	_ =	shalt  }
0x50: {  	_ =	shalt  }
0x51: {  	_ =	shalt  }
0x52: {  	_ =	shalt  }
0x53: {  	_ =	shalt  }
0x54: {  	_ =	shalt  }
0x55: {  	_ =	shalt  }
0x56: {  	_ =	shalt  }
0x57: {  	_ =	shalt  }
0x58: {  	_ =	shalt  }
0x59: {  	_ =	shalt  }
0x5a: {  	_ =	shalt  }
0x5b: {  	_ =	shalt  }
0x5c: {  	_ =	shalt  }
0x5d: {  	_ =	shalt  }
0x5e: {  	_ =	shalt  }
0x5f: {  	_ =	shalt  }
0x60: {  	_ =	shalt  }
0x61: {  	_ =	shalt  }
0x62: {  	_ =	shalt  }
0x63: {  	_ =	shalt  }
0x64: {  	_ =	shalt  }
0x65: {  	_ =	shalt  }
0x66: {  	_ =	shalt  }
0x67: {  	_ =	shalt  }
0x68: {  	_ =	shalt  }
0x69: {  	_ =	shalt  }
0x6a: {  	_ =	shalt  }
0x6b: {  	_ =	shalt  }
0x6c: {  	_ =	shalt  }
0x6d: {  	_ =	shalt  }
0x6e: {  	_ =	shalt  }
0x6f: {  	_ =	shalt  }
0x70: {  	_ =	shalt  }
0x71: {  	_ =	shalt  }
0x72: {  	_ =	shalt  }
0x73: {  	_ =	shalt  }
0x74: {  	_ =	shalt  }
0x75: {  	_ =	shalt  }
0x76: {  	_ =	shalt  }
0x77: {  	_ =	shalt  }
0x78: {  	_ =	shalt  }
0x79: {  	_ =	shalt  }
0x7a: {  	_ =	shalt  }
0x7b: {  	_ =	shalt  }
0x7c: {  	_ =	shalt  }
0x7d: {  	_ =	shalt  }
0x7e: {  	_ =	shalt  }
0x7f: {  	_ =	shalt  }
0x80: {  	_ =	shalt  }
0x81: {  	_ =	shalt  }
0x82: {  	_ =	shalt  }
0x83: {  	_ =	shalt  }
0x84: {  	_ =	shalt  }
0x85: {  	_ =	shalt  }
0x86: {  	_ =	shalt  }
0x87: {  	_ =	shalt  }
.Lfunc_end0:
.L_simem_size_0:
called_computation_lowered:
.L_overlay_start_0:
0x88: {  	s2 =	sld [smem:$0x3FD9]  }
0x89: {  	s3 =	sld [smem:$0x3FFE];
	_ =	sdelay $0x1  }
0x8a: {  	s1 =	srdreg.scid  }
0x8b: {  	s0 =	sand.u32 $0x1, s1  }
0x8c: {  	s14 =	sshll.u32 s0, $0xA;
	s2 =	sadd.s32 s3, s2  }
0x8d: {  	s2 =	sadd.s32 s2, s14  }
0x8e: {  	[smem:$0x3FB6] =	sst s2  }
0x8f: {  	_ = 	snop  }
0x90: {  	s2 =	sld [smem:$0x3FD0];
	_ =	sdelay $0x2  }
0x91: {  	s15 =	simm.s32 $0xA;
	s4 =	simm.s32 $0x10  }
0x92: {  	[smem:s4], [sflag:s15] =	dma.local [hbm:s2], $0x1  }
0x93: {  	_ =	swait.eq [sflag:s15], $0x1  }
0x94: {  	[sflag:s15] =	ssyncset.done $0x0  }
0x95: {  	s16 =	sld [smem:$0x10];
	[sflag:s15] =	ssyncadd.s32 $0xFFFFFFFF  }
0x96: {  	s17 =	sld [smem:$0x12];
	(tm) =	ssettm $0x1  }
0x97: {  	s18 =	sld [smem:$0x3FFB];
	_ =	sdelay $0x3  }
0x98: {  	_ =	strace s18  }
0x99: {  	s4 =	sld [smem:$0x3FFC];
	_ =	sdelay $0x3  }
0x9a: {  	_ =	strace s4  }
0x9b: {  	s4 =	sld [smem:$0x3FFD];
	_ =	sdelay $0x3  }
0x9c: {  	_ =	strace s4  }
0x9d: {  	_ =	strace $0x8FFFFFFF  }
0x9e: {  	s19 =	sld [smem:$0x3FDB];
	_ =	sdelay $0x1  }
0x9f: {  	s5 =	simm.s32 $_scs_section_size  }
0xa0: {  	s6 =	simm.s32 $_size__tile_overlayer_lowered;
	s7 =	simm.s32 $_tile_overlayer_lowered  }
0xa1: {  	s22 =	simm.s32 $0x1BFF;
	s21 =	sshll.u32 s7, $0x1;
	s4 =	sadd.s32 s5, s19  }
0xa2: {  	s8 =	simm.s32 $0x0;
	s20 =	sshll.u32 s6, $0x1;
	s6 =	sadd.s32 s21, s4  }
0xa3: {  	[timem:s8], [sflag:s22] =	dma.local [hbm:s6], s20  }
0xa4: {  	_ =	swait.ge [sflag:s22], s20  }
0xa5: {  	s5 =	ssub.s32 $0x0, s20;
	[sflag:s22] =	ssyncset.done $0x0  }
0xa6: {  	[sflag:s22] =	ssyncadd.s32 s5;
	_ =	sdelay $0x1  }
0xa7: {  	s23 =	simm.s32 $0x1B8B  }
0xa8: {  	_ =	swait.ge [sflag:s23], $0x1  }
0xa9: {  	[sflag:s23] =	ssyncset.done $0x0  }
0xaa: {  	s25 =	simm.s32 $0x1B8E;
	s24 =	sld [smem:$0x3FFE];
	[sflag:s23] =	ssyncadd.s32 $0xFFFFFFFF  }
0xab: {  	s26 =	simm.s32 $execute0_lowered;
	[smem:$0x3FD2] =	sst s25  }
0xac: {  	s6 =	sshll.u32 s26, $0x1;
	_ =	strace $0x80000046;
	[dreg:$0x1] =	wrdreg $0xFFFFFFFF  }
0xad: {  	s28 =	simm.s32 $_size_execute0_lowered;
	s4 =	sadd.s32 s4, s6;
	[dreg:$0x0] =	wrdreg $0x0  }
0xae: {  	s6 =	sshll.u32 s28, $0x1;
	[dreg:$0x2] =	wrdreg s4  }
0xaf: {  	[dreg:$0x3] =	wrdreg s6  }
0xb0: {  	[dreg:$0x4] =	wrdreg $0xC0  }
0xb1: {  	_ =	task [dreg:s8], $0x5FFFF  }
0xb2: {  	[dreg:$0x1] =	wrdreg $0xFFFFFFFF  }
0xb3: {  	[dreg:$0x0] =	wrdreg $0x60  }
0xb4: {  	[dreg:$0x2] =	wrdreg s17  }
0xb5: {  	[dreg:$0x3] =	wrdreg s16  }
0xb6: {  	[dreg:$0x4] =	wrdreg s24  }
0xb7: {  	[dreg:$0x5] =	wrdreg $0x91800  }
0xb8: {  	[dreg:$0x6] =	wrdreg $0x9  }
0xb9: {  	_ =	task.clear_ibuf [dreg:s8], $0x7FFFF;
	_ =	strace $0x90000046  }
0xba: {  	s29 =	simm.s32 $0x9;
	_ =	strace $0x80000048  }
0xbb: {  	_ =	swait.ge [sflag:s29], $0x1  }
0xbc: {  	[sflag:s29] =	ssyncadd.s32 $0xFFFFFFFF  }
0xbd: {  	_ =	strace $0x90000048  }
0xbe: {  	_ =	sfence  }
0xbf: {  	s30 =	sld [smem:$0x0];
	_ =	sdelay $0x2  }
0xc0: {  	s31 =	sshll.u32 s1, $0xD;
	s1 =	sshrl.u32 s1, $0x2  }
0xc1: {  	s3 =	sand.u32 $0x4000, s31;
	s1 =	sadd.s32 s1, s30  }
0xc2: {  	s0 =	sor.u32 s3, s0;
	s1 =	sshll.u32 s1, $0x11  }
0xc3: {  	s0 =	sor.u32 s1, s0  }
0xc4: {  	s0 =	sadd.s32 $0x8F2B, s0  }
0xc5: {  	[sflag:s0] =	ssyncadd.remote.s32 $0x1  }
0xc6: {  	_ =	sfence.sel $0xFFFF  }
0xc7: {  	[dreg:$0x0] =	wrdreg $0xFFFFFFFF;
	(pc) =	sbr.abs _section_cstart, $3  }
0xc8: {  	[dreg:$0x1] =	wrdreg $0xFFFFFFFF  }
0xc9: {  	_ =	task.clear_ibuf [dreg:s8], $0x2FFFF;
	_ =	strace $0x9FFFFFFF  }
0xca: {  	(tm) =	ssettm $0x7FFFFFFF  }
0xcb: {  	_ =	shalt  }
tec
execute0_lowered:
.L_overlay_start_1:
0x0: {  	(tag) =	ssettag $0x1  }
0x1: {  	s1 =	rddreg [dreg:$0x0]  }
0x2: {  	s0 =	rddreg [dreg:$0x2]  }
0x3: {  	s4 =	rddreg [dreg:$0x3];
	s2 =	srdreg.scid  }
0x4: {  	s3 =	simm.s32 $0x0;
	s10 =	stileid.u32;
	s28 =	simm.s32 $0x2800  }
0x5: {  	s29 =	simm.s32 $0x5180;
	s30 =	simm.s32 $0x5000;
	s31 =	simm.s32 $0x5080  }
0x6: {  	s2 =	sand.u32 $0x1, s2;
	[smem:$0x7FF] =	sst s3;
	s5 =	sshrl.u32 s10, $0x3  }
0x7: {  	s6 =	sadd.s32 $0x3DC00, s0;
	s7 =	sadd.s32 $0xBA00, s0;
	s25 =	smul.u32 $0x50000, s10  }
0x8: {  	s23 =	sshll.u32 s10, $0x7;
	s8 =	sadd.s32 $0x1800, s0;
	s12 =	smul.u32 $0x14000, s10  }
0x9: {  	s13 =	sshll.u32 s10, $0x1;
	s22 =	smul.u32 $0x28000, s2;
	_ =	strace $0x80000047  }
0xa: {  	s5 =	smul.u32 $0x14000, s5;
	[dreg:$0x5] =	wrdreg s6;
	s24 =	sand.u32 $0x380, s23  }
0xb: {  	s9 =	ssub.s32 $0x2, s2;
	s11 =	smul.u32 $0x140000, s2;
	s2 =	sor.u32 s2, s13  }
0xc: {  	s6 =	sadd.s32 $0x48200, s0;
	s26 =	sshrl.u32 s9, $0x1;
	s10 =	smul.u32 $0x51, s2  }
0xd: {  	s16 =	sadd.s32 $0x4000, s12;
	s23 =	sadd.s32 $0x8000, s12;
	s3 =	sadd.s32 s22, s5  }
0xe: {  	s5 =	sshrl.u32 s25, $0x2;
	s14 =	sadd.s32 s11, s12;
	s18 =	sadd.s32 s11, s16  }
0xf: {  	s25 =	sadd.s32 $0x10000, s12;
	s3 =	sor.u32 s24, s3;
	s15 =	sshrl.u32 s14, $0x3  }
0x10: {  	s24 =	sadd.s32 $0xC000, s12;
	s3 =	sshrl.u32 s3, $0x3;
	s17 =	sadd.s32 s6, s15  }
0x11: {  	s13 =	sadd.s32 s11, s24;
	s2 =	sadd.s32 s24, s4;
	s0 =	sadd.s32 s3, s0  }
0x12: {  	s3 =	ssub.s32 s9, s26;
	s9 =	sadd.s32 s5, s4;
	[dreg:$0x7] =	wrdreg s17  }
0x13: {  	s26 =	sadd.s32 s11, s23;
	s11 =	sadd.s32 s11, s25;
	s13 =	sshrl.u32 s13, $0x3  }
0x14: {  	s5 =	sadd.s32 s16, s4;
	s24 =	sshrl.u32 s2, $0x3;
	s0 =	sadd.s32 $0x3E200, s0  }
0x15: {  	s2 =	simm.s32 $0x1;
	s19 =	smax.u32 s3, $0x1;
	[dreg:$0x6] =	wrdreg s0  }
0x16: {  	s20 =	sadd.s32 $0x4000, s9;
	s21 =	sadd.s32 $0x8000, s9;
	[dreg:$0x8] =	wrdreg s19  }
0x17: {  	s22 =	sadd.s32 $0xC000, s9;
	s12 =	sshrl.u32 s26, $0x3;
	[dreg:$0x9] =	wrdreg s20  }
0x18: {  	s11 =	sshrl.u32 s11, $0x3;
	s3 =	sadd.s32 s25, s4;
	[dreg:$0xa] =	wrdreg s21  }
0x19: {  	s26 =	simm.s32 $0x2;
	s0 =	sshrl.u32 s18, $0x3;
	[dreg:$0xb] =	wrdreg s22  }
0x1a: {  	s18 =	sadd.s32 s6, s12;
	s19 =	sadd.s32 s6, s13;
	s20 =	sadd.s32 s6, s11  }
0x1b: {  	s21 =	sadd.s32 $0x10000, s9;
	s22 =	sshrl.u32 s5, $0x3;
	s25 =	sshrl.u32 s3, $0x3  }
0x1c: {  	s3 =	simm.s32 $0x1FA80;
	s5 =	simm.s32 $0x1D180;
	s0 =	sadd.s32 s6, s0  }
0x1d: {  	v0 =	vimm.f32 $0.0e+00;
	v2 =	vlaneseq.u32;
	s11 =	simm.s32 $0x0;
	[dreg:$0xc] =	wrdreg s0;
	s0 =	sadd.s32 s23, s4  }
0x1e: {  	v1 =	vimm.s32 $0x0;
	vm0 =	vcmask $0x3F3C;
	v2 =	vor.u32 $0x80000000, v2;
	s6 =	simm.s32 $0x5100;
	s23 =	sshrl.u32 s0, $0x3;
	s0 =	simm.s32 $0x80  }
.LBB2_1:
0x1f: {  	s12 =	rddreg [dreg:$0x1];
	s13 =	simm.s32 $0x0  }
0x20: {  	[tilespmem:s13], [sflag:$0x2] =	stream.linear.gather [hbm4b:s12+s13], $0x2800, $0x38;
	[tilespmem:$0x1FB00] =	vst v63  }
0x21: {  	_ =	swait.ge [sflag:s26], $0x2800  }
0x22: {  	[sflag:s26] =	ssyncset.done $0x0  }
0x23: {  	s17 =	rddreg [dreg:$0x5];
	[sflag:s26] =	ssyncadd.s32 $0xFFFFD800  }
0x24: {  	[tilespmem:s28], [sflag:$0x2] =	stream.linear.gather [hbm4b:s17+s13], $0x2800, $0x38;
	[tilespmem:$0x1FB00] =	vst v63  }
0x25: {  	_ =	swait.ge [sflag:s26], $0x2800  }
0x26: {  	[sflag:s26] =	ssyncset.done $0x0  }
0x27: {  	s12 =	simm.s32 $0x0;
	s13 =	simm.s32 $0x200;
	[sflag:s26] =	ssyncadd.s32 $0xFFFFD800  }
.LBB2_2:
0x28: {  	p0 =	sne.s32 s13, $0xFE00;
	[tilespmem:s12+$0x51F0] =	vst v0  }
0x29: {  	[tilespmem:s12+$0x5180] =	vst v0  }
0x2a: {  	[tilespmem:s12+$0x5190] =	vst v0  }
.Ltmp0:
0x2b: {  	[tilespmem:s12+$0x51A0] =	vst v0;
	(pc) =	sbr.rel @p0 .LBB2_2-.Ltmp0, $4  }
0x2c: {  	[tilespmem:s12+$0x51B0] =	vst v0  }
0x2d: {  	[tilespmem:s12+$0x51C0] =	vst v0  }
0x2e: {  	[tilespmem:s12+$0x51D0] =	vst v0  }
0x2f: {  	[tilespmem:s12+$0x51E0] =	vst v0;
	s12 =	sshra.s32 s13, $0x2;
	s13 =	sadd.s32 $0x200, s13  }
0x30: {  	[tilespmem:s12+$0x51F0] =	vst v0  }
0x31: {  	[tilespmem:s12+$0x5180] =	vst v0  }
0x32: {  	[tilespmem:s12+$0x5190] =	vst v0  }
0x33: {  	[tilespmem:s12+$0x51A0] =	vst v0  }
0x34: {  	[tilespmem:s12+$0x51B0] =	vst v0  }
0x35: {  	[tilespmem:s12+$0x51C0] =	vst v0  }
0x36: {  	[tilespmem:s12+$0x51D0] =	vst v0  }
0x37: {  	[tilespmem:s12+$0x51E0] =	vst v0  }
0x38: {  	[spmem:s9] =	stream.linear.scatter [tilespmem:s29], [sflag:$0x2], $0x4000, $0x38;
	[tilespmem:$0x1FB00] =	vst v63  }
0x39: {  	_ =	swait.ge [sflag:s26], $0x4000  }
0x3a: {  	[sflag:s26] =	ssyncset.done $0x0  }
0x3b: {  	s15 =	rddreg [dreg:$0x9];
	[sflag:s26] =	ssyncadd.s32 $0xFFFFC000  }
0x3c: {  	[spmem:s15] =	stream.linear.scatter [tilespmem:s29], [sflag:$0x2], $0x4000, $0x38;
	[tilespmem:$0x1FB00] =	vst v63  }
0x3d: {  	_ =	swait.ge [sflag:s26], $0x4000  }
0x3e: {  	[sflag:s26] =	ssyncset.done $0x0  }
0x3f: {  	s16 =	rddreg [dreg:$0xa];
	[sflag:s26] =	ssyncadd.s32 $0xFFFFC000  }
0x40: {  	[spmem:s16] =	stream.linear.scatter [tilespmem:s29], [sflag:$0x2], $0x4000, $0x38;
	[tilespmem:$0x1FB00] =	vst v63  }
0x41: {  	_ =	swait.ge [sflag:s26], $0x4000  }
0x42: {  	[sflag:s26] =	ssyncset.done $0x0  }
0x43: {  	s17 =	rddreg [dreg:$0xb];
	[sflag:s26] =	ssyncadd.s32 $0xFFFFC000  }
0x44: {  	[spmem:s17] =	stream.linear.scatter [tilespmem:s29], [sflag:$0x2], $0x4000, $0x38;
	[tilespmem:$0x1FB00] =	vst v63  }
0x45: {  	_ =	swait.ge [sflag:s26], $0x4000  }
0x46: {  	[sflag:s26] =	ssyncset.done $0x0  }
0x47: {  	[sflag:s26] =	ssyncadd.s32 $0xFFFFC000  }
0x48: {  	[spmem:s21] =	stream.linear.scatter [tilespmem:s29], [sflag:$0x2], $0x4000, $0x38;
	[tilespmem:$0x1FB00] =	vst v63  }
0x49: {  	_ =	swait.ge [sflag:s26], $0x4000  }
0x4a: {  	[sflag:s26] =	ssyncset.done $0x0  }
0x4b: {  	[sflag:s26] =	ssyncadd.s32 $0xFFFFC000  }
0x4c: {  	[tilespmem:$0x1F980] =	vst v1  }
0x4d: {  	[tilespmem:$0x1F990] =	vst v1  }
0x4e: {  	[tilespmem:$0x1FA00] =	vst v1  }
0x4f: {  	s12 =	simm.s32 $0x40;
	s13 =	simm.s32 $0x0;
	[tilespmem:$0x1FA10] =	vst v1  }
.LBB2_4:
0x50: {  	p0 =	sne.s32 s12, $0x9FC0;
	[tilespmem:s13+$0x1D180] =	vst v0;
	s13 =	smov.u32 s12;
	s12 =	sadd.s32 $0x40, s12  }
.Ltmp1:
0x51: {  	(pc) =	sbr.rel @p0 .LBB2_4-.Ltmp1, $2  }
0x52: {  	_ =	sdelay $0x2  }
0x53: {  	s13 =	sshra.s32 s13, $0x2  }
0x54: {  	[tilespmem:s13+$0x1D180] =	vst v0  }
0x55: {  	s12 =	simm.s32 $0x0;
	s13 =	simm.s32 $0x0;
	[bflag:$0x0] =	sbarrier.arrive $0xFFFF  }
.LBB2_6:
0x56: {  	s14 =	sadd.s32 s10, s13  }
0x57: {  	s14 =	sshll.u32 s14, $0x4  }
0x58: {  	s15 =	sadd.s32 s7, s14  }
0x59: {  	[tilespmem:s30], [sflag:$0x2] =	stream.linear.gather [hbm4b:s15+s12], $0x80, $0x38;
	[tilespmem:$0x1FB00] =	vst v63  }
0x5a: {  	_ =	swait.ge [sflag:s26], $0x80  }
0x5b: {  	[sflag:s26] =	ssyncset.done $0x0  }
0x5c: {  	s14 =	sadd.s32 s8, s14;
	[sflag:s26] =	ssyncadd.s32 $0xFFFFFF80  }
0x5d: {  	[tilespmem:s31], [sflag:$0x2] =	stream.linear.gather [hbm4b:s14+s12], $0x80, $0x38;
	[tilespmem:$0x1FB00] =	vst v63  }
0x5e: {  	_ =	swait.ge [sflag:s26], $0x80  }
0x5f: {  	[sflag:s26] =	ssyncset.done $0x0  }
0x60: {  	[sflag:s26] =	ssyncadd.s32 $0xFFFFFF80  }
0x61: {  	[tilespmem:s29], [sflag:$0x1] =	stream.indirect.gather [hbm4b:s1+s0], $0x80, s30, s0, $0xb8;
	[tilespmem:$0x1FB00] =	vst v63  }
0x62: {  	_ =	swait.ge [sflag:s2], $0x4000  }
0x63: {  	[sflag:s2] =	ssyncset.done $0x0  }
0x64: {  	s14 =	simm.s32 $0x0;
	[sflag:s2] =	ssyncadd.s32 $0xFFFFC000  }
.LBB2_7:
0x65: {  	s16 =	sshra.s32 s14, $0x2  }
0x66: {  	v3 =	vld [tilespmem:s16+$0x5000]  }
0x67: {  	v4 =	vld [tilespmem:s16+$0x5080];
	_ =	sdelay $0x5  }
0x68: {  	s15 =	simm.s32 $0x0  }
0x69: {  	v3 =	vld.idx.msk [tilespmem:v3+s15+$0x0], $0xffff  }
0x6a: {  	v5 =	vld.idx.msk [tilespmem:v4+s28+$0x0], $0xffff;
	_ =	sdelay $0x4  }
0x6b: {  	v3 =	vadd.f32 v5, v3;
	_ =	sdelay $0x1  }
0x6c: {  	v5 =	vmul.f32 $2.000000030e-01, v3;
	_ =	sdelay $0x1  }
0x6d: {  	v3 =	vmax.f32 v3, v5  }
0x6e: {  	v3 =	vmul.f32 $1.442695020e+00, v3;
	_ =	sdelay $0x1  }
0x6f: {  	(erf) = vpow2.f32 v3;
	_ =	sdelay $0x8  }
0x70: {  	v4 =	vxor.u32 $0x80000000, v4;
	v3 =	vpop (erf)  }
0x71: {  	(xrf1) =	vsort.ascd.msk.u32 $0xffff, v4, v3;
	_ =	sdelay $0xd  }
0x72: {  	v4, v61, _ =	vpop (xrf1)  }
0x73: {  	[tilespmem:s16+$0x5100] =	vst v3;
	v3 =	vxor.u32 $0x80000000, v4  }
0x74: {  	[tilespmem:$0x1F981] =	vst v3  }
0x75: {  	v62 =	vld [tilespmem:$0x1F980];
	_ =	sdelay $0x4  }
0x76: {  	vm1 =	veq.s32 v3, v62  }
0x77: {  	v4 =	vsel vm1, $0x80000000, v2  }
0x78: {  	(xrf0) =	vmax.scan.msk.u32 $0xffff, v4;
	_ =	sdelay $0x1  }
0x79: {  	(xrf2) =	vadd.scan.msk.f32 $0xffff, v61;
	_ =	sdelay $0x3  }
0x7a: {  	v4, _, _ =	vpop (xrf0)  }
0x7b: {  	v63 =	vadd.s32 $0x7FFFFFFF, v4  }
0x7c: {  	vm1 =	vgt.s32 v63, $0x0  }
0x7d: {  	[tilespmem:$0x1FA00] =	vst v3;
	v5 =	vnsel vm1, $0x0, v63  }
0x7e: {  	v6 =	vld [tilespmem:$0x1FA01];
	_ =	sdelay $0x1  }
0x7f: {  	v7, _, _ =	vpop (xrf2)  }
0x80: {  	[tilespmem:$0x1FA80] =	vst v7  }
0x81: {  	v5 =	vld.idx.msk [tilespmem:v5+s3+$0x0], $0xffff  }
0x82: {  	vm1 =	vne.s32 v3, v6  }
0x83: {  	vm1 =	vmor vm1, vm0  }
0x84: {  	p0 =	sne.s32 s14, $0x1C0  }
.Ltmp2:
0x85: {  	vm2 =	veq.s32 v4, $0x80000000;
	(pc) =	sbr.rel @p0 .LBB2_7-.Ltmp2, $3  }
0x86: {  	v4 =	vsel vm2, $0x0, v5  }
0x87: {  	v4 =	vsub.f32 v7, v4;
	_ =	sdelay $0x1  }
0x88: {  	s14 =	sadd.s32 $0x40, s14;
	[tilespmem:v3+s5+$0x0] =	vst.idx.add.f32.msk vm1, v4  }
0x89: {  	v3 =	vmov s15  }
0x8a: {  	s14 =	simm.s32 $0x51C0  }
0x8b: {  	v7 =	vld [tilespmem:s14+$0x30]  }
0x8c: {  	v10 =	vld [tilespmem:s14+$0x10]  }
0x8d: {  	v8 =	vld [tilespmem:s14+$0xFFFFFFC0]  }
0x8e: {  	v4 =	vld.idx.msk [tilespmem:v3+s6+$0x0], $0xffff  }
0x8f: {  	v12 =	vld [tilespmem:s14+$0xFFFFFFE0]  }
0x90: {  	v5 =	vld [tilespmem:s14+$0x20]  }
0x91: {  	v6 =	vld [tilespmem:s14+$0xFFFFFFD0]  }
0x92: {  	v3 =	vld [tilespmem:s14+$0xFFFFFFF0]  }
0x93: {  	v11 =	vmul.f32 v7, v4;
	v7 =	vld [tilespmem:s14+$0x0]  }
0x94: {  	v9 =	vmul.f32 v8, v4  }
0x95: {  	s15 =	simm.s32 $0x1;
	s16 =	simm.s32 $0x51C0;
	v8 =	vmul.f32 v12, v4;
	v10 =	vmul.f32 v10, v4  }
.LBB2_9:
0x96: {  	p0 =	sne.s32 s15, $0x7F  }
0x97: {  	v6 =	vmul.f32 v6, v4;
	v5 =	vmul.f32 v5, v4;
	[tilespmem:s14+$0x30] =	vst v11;
	s16 =	sadd.s32 $0x80, s16;
	s17 =	smov.u32 s15;
	s15 =	sadd.s32 $0x1, s15  }
0x98: {  	[tilespmem:s14+$0xFFFFFFC0] =	vst v9;
	v9 =	vmul.f32 v3, v4;
	v4 =	vmul.f32 v7, v4  }
0x99: {  	[tilespmem:s14+$0x10] =	vst v10  }
0x9a: {  	v7 =	vmov s17;
	[tilespmem:s14+$0xFFFFFFE0] =	vst v8  }
0x9b: {  	v3 =	vld [tilespmem:s16+$0xFFFFFFF0];
	[tilespmem:s14+$0xFFFFFFF0] =	vst v9  }
0x9c: {  	v8 =	vld [tilespmem:s16+$0x30];
	[tilespmem:s14+$0x0] =	vst v4  }
0x9d: {  	v10 =	vld [tilespmem:s16+$0x10];
	[tilespmem:s14+$0x20] =	vst v5  }
0x9e: {  	v9 =	vld [tilespmem:s16+$0xFFFFFFC0];
	[tilespmem:s14+$0xFFFFFFD0] =	vst v6;
	s14 =	smov.u32 s16  }
0x9f: {  	v4 =	vld.idx.msk [tilespmem:v7+s6+$0x0], $0xffff  }
0xa0: {  	v12 =	vld [tilespmem:s16+$0xFFFFFFE0]  }
0xa1: {  	v5 =	vld [tilespmem:s16+$0x20]  }
.Ltmp3:
0xa2: {  	v6 =	vld [tilespmem:s16+$0xFFFFFFD0];
	(pc) =	sbr.rel @p0 .LBB2_9-.Ltmp3, $3  }
0xa3: {  	v7 =	vld [tilespmem:s16+$0x0];
	_ =	sdelay $0x1  }
0xa4: {  	v9 =	vmul.f32 v9, v4;
	v11 =	vmul.f32 v8, v4  }
0xa5: {  	v10 =	vmul.f32 v10, v4;
	v8 =	vmul.f32 v12, v4  }
0xa6: {  	[tilespmem:s14+$0x30] =	vst v11  }
0xa7: {  	[tilespmem:s14+$0xFFFFFFC0] =	vst v9  }
0xa8: {  	v3 =	vmul.f32 v3, v4;
	[tilespmem:s14+$0x10] =	vst v10  }
0xa9: {  	v5 =	vmul.f32 v5, v4;
	[tilespmem:s14+$0xFFFFFFE0] =	vst v8  }
0xaa: {  	v7 =	vmul.f32 v7, v4;
	[tilespmem:s14+$0xFFFFFFF0] =	vst v3  }
0xab: {  	s13 =	sadd.s32 $0x1, s13;
	v3 =	vmul.f32 v6, v4;
	[tilespmem:s14+$0x20] =	vst v5  }
0xac: {  	p0 =	sne.s32 s13, $0x51;
	[tilespmem:s14+$0x0] =	vst v7  }
.Ltmp4:
0xad: {  	[tilespmem:s14+$0xFFFFFFD0] =	vst v3;
	(pc) =	sbr.rel @p0 .LBB2_6-.Ltmp4, $4  }
0xae: {  	[spmem:s4] =	stream.indirect.scatter.add.f32 [tilespmem:s29], [sflag:$0x2], $0x80, s31, s0, $0xb8;
	[tilespmem:$0x1FB00] =	vst v63  }
0xaf: {  	_ =	swait.ge [sflag:s26], $0x4000  }
0xb0: {  	[sflag:s26] =	ssyncset.done $0x0  }
0xb1: {  	[sflag:s26] =	ssyncadd.s32 $0xFFFFC000  }
0xb2: {  	s12 =	stileid.u32  }
0xb3: {  	[bflag:$0x0] =	sbarrier.arrive $0xFFFF;
	s12 =	sshll.u32 s12, $0x6  }
0xb4: {  	s13 =	sshrl.u32 s9, $0x3;
	s14 =	rddreg [dreg:$0x7];
	s12 =	sor.u32 $0x1C02, s12  }
0xb5: {  	[hbm:s14], [sflag:s12] =	dma.local [spmem:s13], $0x800  }
0xb6: {  	_ =	swait.ge [sflag:s26], $0x800  }
0xb7: {  	[sflag:s26] =	ssyncset.done $0x0  }
0xb8: {  	s14 =	rddreg [dreg:$0xc];
	[sflag:s26] =	ssyncadd.s32 $0xFFFFF800  }
0xb9: {  	[hbm:s14], [sflag:s12] =	dma.local [spmem:s22], $0x800  }
0xba: {  	_ =	swait.ge [sflag:s26], $0x800  }
0xbb: {  	[sflag:s26] =	ssyncset.done $0x0  }
0xbc: {  	[sflag:s26] =	ssyncadd.s32 $0xFFFFF800  }
0xbd: {  	[hbm:s18], [sflag:s12] =	dma.local [spmem:s23], $0x800  }
0xbe: {  	_ =	swait.ge [sflag:s26], $0x800  }
0xbf: {  	[sflag:s26] =	ssyncset.done $0x0  }
0xc0: {  	[sflag:s26] =	ssyncadd.s32 $0xFFFFF800  }
0xc1: {  	[hbm:s19], [sflag:s12] =	dma.local [spmem:s24], $0x800  }
0xc2: {  	_ =	swait.ge [sflag:s26], $0x800  }
0xc3: {  	[sflag:s26] =	ssyncset.done $0x0  }
0xc4: {  	[sflag:s26] =	ssyncadd.s32 $0xFFFFF800  }
0xc5: {  	[hbm:s20], [sflag:s12] =	dma.local [spmem:s25], $0x800  }
0xc6: {  	_ =	swait.ge [sflag:s26], $0x800  }
0xc7: {  	[sflag:s26] =	ssyncset.done $0x0  }
0xc8: {  	s16 =	simm.s32 $0x400;
	s15 =	rddreg [dreg:$0x6];
	[sflag:s26] =	ssyncadd.s32 $0xFFFFF800  }
0xc9: {  	[hbm4b:s15+s0] =	stream.strided.scatter [tilespmem:s5], [sflag:$0x2], $0x2800, s16, s0, $0x38;
	[tilespmem:$0x1FB00] =	vst v63  }
0xca: {  	_ =	swait.ge [sflag:s26], $0x2800  }
0xcb: {  	s11 =	sadd.s32 $0x1, s11;
	s17 =	rddreg [dreg:$0x8]  }
0xcc: {  	p0 =	sne.s32 s11, s17  }
.Ltmp5:
0xcd: {  	_ = 	snop;
	(pc) =	sbr.rel @p0 .LBB2_1-.Ltmp5, $3  }
0xce: {  	_ =	sdelay $0x1  }
0xcf: {  	[sflag:s26] =	ssyncset.done $0x0  }
0xd0: {  	[sflag:s26] =	ssyncadd.s32 $0xFFFFD800  }
0xd1: {  	_ =	sfence.sel $0x180000  }
0xd2: {  	[bflag:$0x0] =	sbarrier.arrive $0xFFFF  }
0xd3: {  	_ =	strace $0x90000047  }
0xd4: {  	s0 =	stileid.u32;
	[bflag:$0x2] =	sbarrier.arrive $0xFFFF  }
0xd5: {  	p0 =	sne.s32 s0, $0x0;
	s0 =	rddreg [dreg:$0x4]  }
0xd6: {  	s0 =	sadd.s32 @!p0 $0x100000, s0  }
0xd7: {  	[sflag:s0] =	ssyncadd.tile.s32 @!p0 $0x1;
	_ =	shalt  }
.Lfunc_end2:
_tile_overlayer_lowered:
.L_overlay_start_2:
0xd8: {  	(tag) =	ssettag $0x2  }
0xd9: {  	s0 =	rddreg [dreg:$0x0];
	s2 =	stileid.u32  }
0xda: {  	s1 =	rddreg [dreg:$0x1];
	p0 =	sne.s32 s2, $0x0  }
0xdb: {  	s3 =	rddreg [dreg:$0x2];
	[bflag:$0x3] =	sbarrier.arrive $0xFFFF;
	s2 =	simm.s32 @!p0 $0x1C02  }
0xdc: {  	[timem:s3], [sflag:s2] =	dma.local @!p0 [hbm:s0], s1  }
0xdd: {  	s0 =	simm.s32 @!p0 $0x2  }
0xde: {  	_ =	swait.ge @!p0 [sflag:s0], s1  }
0xdf: {  	s1 =	ssub.s32 @!p0 $0x0, s1;
	[sflag:s0] =	ssyncset.done @!p0 $0x0  }
0xe0: {  	[sflag:s0] =	ssyncadd.s32 @!p0 s1  }
0xe1: {  	[bflag:$0x3] =	sbarrier.arrive $0xFFFF  }
0xe2: {  	_ =	shalt  }

</sc_bundles>
